<compile_context>
chip_gen: v7x
topology: tpu7x:2x2x1
jax: 0.10.2.dev20260603
libtpu: 0.0.44.dev20260713+nightly
codegen_flags: <defaults>
</compile_context>

<pallas_src>
import jax
import jax.numpy as jnp
from jax import lax
from jax.experimental import pallas as pl
from jax.experimental.pallas import tpu as pltpu
from jax.experimental.pallas import tpu_sc as plsc

N_ENT = 50000
N_EDGES = 800000
D = 64
N_USERS = 1024
N_REL = 16

HALF = D // 2
NC = 2
NS = 16
N_PAD = 50048
ROWS_PER_TILE = N_PAD // NS
E_PER_TILE = N_EDGES // NS
CHUNK = 250
N_CHUNK = E_PER_TILE // CHUNK
SROWS = 10
NDS = N_CHUNK // (2 * SROWS)
TBL_ROWS = N_REL * N_PAD
TBL128 = NC * N_REL * N_PAD // 4
EROWS = N_EDGES // CHUNK


def _tb_body(emb_ref, w_ref, out_ref):
    row = pl.program_id(0) * N_REL + pl.program_id(1)
    out_ref[...] = emb_ref[...] * w_ref[pl.ds(row, 1), :]


_tb_call = pl.pallas_call(
    _tb_body,
    grid=(NC, N_REL),
    in_specs=[
        pl.BlockSpec((N_PAD * HALF // 128, 128), lambda c, r: (c, 0)),
        pl.BlockSpec((NC * N_REL, 128), lambda c, r: (0, 0)),
    ],
    out_specs=pl.BlockSpec((N_PAD * HALF // 128, 128),
                           lambda c, r: (c * N_REL + r, 0)),
    out_shape=jax.ShapeDtypeStruct((TBL128, 128), jnp.float32),
)


def _ci_body(tail_ref, type_ref, out_ref):
    out_ref[...] = type_ref[...] * N_PAD + tail_ref[...]


_ci_call = pl.pallas_call(
    _ci_body,
    out_shape=jax.ShapeDtypeStruct((N_EDGES,), jnp.int32),
)


def _sc_body(scaled, cidx2, head2, out2,
             acc, tb0, tb1, cs0, cs1, hs0, hs1,
             g0, g1, s0, s1, sts0, sts1):
    c = lax.axis_index("c")
    s = lax.axis_index("s")
    row0 = s * ROWS_PER_TILE
    rbase = s * N_CHUNK
    zero16 = jnp.zeros((16,), jnp.float32)
    src = scaled.at[c]

    def _wait_g(sem, buf):
        pltpu.make_async_copy(out2.at[0, pl.ds(0, CHUNK)], buf, sem).wait()

    def _wait_s(sem, buf):
        pltpu.make_async_copy(buf, acc.at[pl.ds(0, CHUNK)], sem).wait()

    def _wait_stage(sem, cb, hb):
        pltpu.make_async_copy(cidx2.at[pl.ds(0, SROWS)], cb, sem).wait()
        pltpu.make_async_copy(head2.at[pl.ds(0, SROWS)], hb, sem).wait()

    pltpu.async_copy(cidx2.at[pl.ds(rbase, SROWS)], cs0, sts0)
    pltpu.async_copy(head2.at[pl.ds(rbase, SROWS)], hs0, sts0)

    def _z(i, _):
        tb0[i, pl.ds(0, 16)] = zero16
        tb0[i, pl.ds(16, 16)] = zero16
        tb1[i, pl.ds(0, 16)] = zero16
        tb1[i, pl.ds(16, 16)] = zero16
        return 0
    lax.fori_loop(0, CHUNK, _z, 0)

    def _zcopy(k, _):
        pltpu.sync_copy(tb0, acc.at[pl.ds(row0 + k * CHUNK, CHUNK)])
        return 0
    lax.fori_loop(0, ROWS_PER_TILE // CHUNK, _zcopy, 0)
    pltpu.sync_copy(tb0.at[pl.ds(0, ROWS_PER_TILE % CHUNK)],
                    acc.at[pl.ds(row0 + (ROWS_PER_TILE // CHUNK) * CHUNK,
                                 ROWS_PER_TILE % CHUNK)])
    _wait_stage(sts0, cs0, hs0)
    plsc.subcore_barrier()

    pltpu.async_copy(src.at[cs0.at[0]], tb0, g0)
    pltpu.async_copy(tb1, acc.at[hs0.at[0]], s1, add=True)

    def _super(cb, hb, last_gather):
        for p in range(SROWS // 2):
            _wait_g(g0, tb0)
            pltpu.async_copy(tb0, acc.at[hb.at[2 * p]], s0, add=True)
            _wait_s(s1, tb1)
            pltpu.async_copy(src.at[cb.at[2 * p + 1]], tb1, g1)
            _wait_g(g1, tb1)
            pltpu.async_copy(tb1, acc.at[hb.at[2 * p + 1]], s1, add=True)
            _wait_s(s0, tb0)
            if p < SROWS // 2 - 1:
                pltpu.async_copy(src.at[cb.at[2 * p + 2]], tb0, g0)
            else:
                last_gather()

    def _dsuper(m, _):
        r1 = rbase + (2 * m + 1) * SROWS
        pltpu.async_copy(cidx2.at[pl.ds(r1, SROWS)], cs1, sts1)
        pltpu.async_copy(head2.at[pl.ds(r1, SROWS)], hs1, sts1)

        def _lg0():
            _wait_stage(sts1, cs1, hs1)
            pltpu.async_copy(src.at[cs1.at[0]], tb0, g0)
        _super(cs0, hs0, _lg0)

        r2 = jnp.where(m < NDS - 1, rbase + (2 * m + 2) * SROWS, rbase)
        pltpu.async_copy(cidx2.at[pl.ds(r2, SROWS)], cs0, sts0)
        pltpu.async_copy(head2.at[pl.ds(r2, SROWS)], hs0, sts0)

        def _lg1():
            _wait_stage(sts0, cs0, hs0)
            pltpu.async_copy(src.at[cs0.at[0]], tb0, g0)
        _super(cs1, hs1, _lg1)
        return 0
    lax.fori_loop(0, NDS, _dsuper, 0)

    _wait_g(g0, tb0)
    _wait_s(s1, tb1)

    plsc.subcore_barrier()
    pltpu.sync_copy(acc.at[pl.ds(row0, ROWS_PER_TILE)],
                    out2.at[c, pl.ds(row0, ROWS_PER_TILE)])


_sc_call = pl.kernel(
    _sc_body,
    out_type=jax.ShapeDtypeStruct((NC, N_PAD, HALF), jnp.float32),
    mesh=plsc.VectorSubcoreMesh(core_axis_name="c", subcore_axis_name="s",
                                num_cores=NC, num_subcores=NS),
    scratch_types=[
        pltpu.VMEM_SHARED((N_PAD, HALF), jnp.float32),
        pltpu.VMEM((CHUNK, HALF), jnp.float32),
        pltpu.VMEM((CHUNK, HALF), jnp.float32),
        pltpu.VMEM((SROWS, CHUNK), jnp.int32),
        pltpu.VMEM((SROWS, CHUNK), jnp.int32),
        pltpu.VMEM((SROWS, CHUNK), jnp.int32),
        pltpu.VMEM((SROWS, CHUNK), jnp.int32),
        pltpu.SemaphoreType.DMA,
        pltpu.SemaphoreType.DMA,
        pltpu.SemaphoreType.DMA,
        pltpu.SemaphoreType.DMA,
        pltpu.SemaphoreType.DMA,
        pltpu.SemaphoreType.DMA,
    ],
    compiler_params=pltpu.CompilerParams(use_tc_tiling_on_sc=False),
)


_KBLK = 1920
_NKB = -(-N_ENT // _KBLK)


def _mm_body(embT_ref, imT_ref, out_ref):
    k = pl.program_id(0)

    @pl.when(k == 0)
    def _():
        out_ref[...] = jnp.zeros_like(out_ref)

    a = embT_ref[...]
    lanes = lax.broadcasted_iota(jnp.int32, a.shape, 1) + k * _KBLK
    a = jnp.where(lanes < N_ENT, a, 0.0)
    out_ref[...] += lax.dot_general(
        a, imT_ref[...],
        dimension_numbers=(((1,), (0,)), ((), ())),
        preferred_element_type=jnp.float32)


_mm_call = pl.pallas_call(
    _mm_body,
    grid=(_NKB,),
    in_specs=[
        pl.BlockSpec((D, _KBLK), lambda k: (0, k)),
        pl.BlockSpec((_KBLK, N_USERS), lambda k: (k, 0)),
    ],
    out_specs=pl.BlockSpec((D, N_USERS), lambda k: (0, 0)),
    out_shape=jax.ShapeDtypeStruct((D, N_USERS), jnp.float32),
)


def kernel(entity_emb, user_emb, edge_index, edge_type, interact_mat, weight):
    pad = ((0, N_PAD - N_ENT), (0, 0))
    emb2p = jnp.concatenate([jnp.pad(entity_emb[:, :HALF], pad),
                             jnp.pad(entity_emb[:, HALF:], pad)], axis=0)
    emb128 = emb2p.reshape(NC * N_PAD * HALF // 128, 128)
    w4 = jnp.tile(jnp.concatenate([weight[:, :HALF], weight[:, HALF:]],
                                  axis=0), (1, 4))
    head = edge_index[0]
    tail = edge_index[1]

    scaled = _tb_call(emb128, w4).reshape(NC, TBL_ROWS, HALF)
    cidx2 = _ci_call(tail, edge_type).reshape(EROWS, CHUNK)
    head2 = head.reshape(EROWS, CHUNK)

    user_agg = _mm_call(entity_emb.T, interact_mat.T).T
    out2 = _sc_call(scaled, cidx2, head2)
    entity_agg = out2[:, :N_ENT, :].transpose(1, 0, 2).reshape(N_ENT, D)
    return (entity_agg, user_agg)

# --- scband reference (transcript-rebuilt; emitter-appended) ---
"""Pipeline reference for scband-aggregator-90469191123300 (READ-ONLY COPY).

The authoritative reference and input builder live on the scoring server;
editing this copy changes nothing except your own understanding.
"""

import jax, jax.numpy as jnp
import numpy as np

N_ENT = 50000
N_EDGES = 800000
D = 64
N_USERS = 1024
N_REL = 16


def setup_inputs(seed: int = 0) -> dict:
    key = jax.random.key(seed)
    ks = jax.random.split(key, 6)
    entity_emb = jax.random.normal(ks[0], (N_ENT, D), dtype=jnp.float32)
    user_emb = jax.random.normal(ks[1], (N_USERS, D), dtype=jnp.float32)
    edge_index = jax.random.randint(ks[2], (2, N_EDGES), 0, N_ENT, dtype=jnp.int32)
    edge_type = jax.random.randint(ks[3], (N_EDGES,), 0, N_REL, dtype=jnp.int32)
    interact_mat = jax.random.uniform(ks[4], (N_USERS, N_ENT), dtype=jnp.float32)
    weight = jax.random.normal(ks[5], (N_REL, D), dtype=jnp.float32)
    return {
        "entity_emb": entity_emb,
        "user_emb": user_emb,
        "edge_index": edge_index,
        "edge_type": edge_type,
        "interact_mat": interact_mat,
        "weight": weight,
    }


def reference(entity_emb, user_emb, edge_index, edge_type, interact_mat, weight):
    # KG aggregate: gather tail entity embeddings, modulate by relation embedding,
    # scatter-sum onto head nodes.
    n_entities = entity_emb.shape[0]
    head = edge_index[0]
    tail = edge_index[1]
    edge_relation_emb = weight[edge_type]                    # gather [E, D]
    neigh_relation_emb = entity_emb[tail] * edge_relation_emb  # gather [E, D]
    entity_agg = jax.ops.segment_sum(neigh_relation_emb, head, num_segments=n_entities)
    # user aggregate: sparse.mm(interact_mat, entity_emb) -> dense matmul here
    user_agg = interact_mat @ entity_emb
    return (entity_agg, user_agg)

if __name__ == "__main__":
    import jax
    _d = setup_inputs()
    print(jax.jit(kernel)(*tuple(_d.values())))

</pallas_src>

<mosaic_0001>
#map = affine_map<(d0, d1) -> (0, 0, 0)>
#map1 = affine_map<(d0, d1) -> (0, 0)>
module attributes {stable_mosaic.version = 14 : i64} {
  func.func @_sc_body(%arg0: i32, %arg1: i32, %arg2: memref<2x800768x32xf32, #tpu.memory_space<hbm>>, %arg3: memref<3200x250xi32, #tpu.memory_space<hbm>>, %arg4: memref<3200x250xi32, #tpu.memory_space<hbm>>, %arg5: memref<2x50048x32xf32, #tpu.memory_space<hbm>>, %arg6: memref<50048x32xf32, #tpu.memory_space<vmem_shared>>, %arg7: memref<250x32xf32, #tpu.memory_space<vmem>>, %arg8: memref<250x32xf32, #tpu.memory_space<vmem>>, %arg9: memref<10x250xi32, #tpu.memory_space<vmem>>, %arg10: memref<10x250xi32, #tpu.memory_space<vmem>>, %arg11: memref<10x250xi32, #tpu.memory_space<vmem>>, %arg12: memref<10x250xi32, #tpu.memory_space<vmem>>, %arg13: memref<!tpu.dma_semaphore, #tpu.memory_space<semaphore_mem>>, %arg14: memref<!tpu.dma_semaphore, #tpu.memory_space<semaphore_mem>>, %arg15: memref<!tpu.dma_semaphore, #tpu.memory_space<semaphore_mem>>, %arg16: memref<!tpu.dma_semaphore, #tpu.memory_space<semaphore_mem>>, %arg17: memref<!tpu.dma_semaphore, #tpu.memory_space<semaphore_mem>>, %arg18: memref<!tpu.dma_semaphore, #tpu.memory_space<semaphore_mem>>) attributes {dimension_semantics = [#tpu.dimension_semantics<core_parallel>, #tpu.dimension_semantics<subcore_parallel>], iteration_bounds = array<i64: 2, 16>, scalar_prefetch = 0 : i64, scratch_operands = 13 : i64, tpu.core_type = #tpu.core_type<sc_vector_subcore>, window_params = [{transform_indices = #map}, {transform_indices = #map1}, {transform_indices = #map1}, {transform_indices = #map}]} {
    %mul3A = arith.constant 3128 : i32
    %mul3A_0 = arith.muli %arg1, %mul3A : i32
    %mul3A_1 = arith.constant 200 : i32
    %mul3A_2 = arith.muli %arg1, %mul3A_1 : i32
    %broadcast_in_dim3A = arith.constant 0.000000e+00 : f32
    %broadcast_in_dim3A_3 = vector.broadcast %broadcast_in_dim3A : f32 to vector<16xf32>
    %dma_start3A = arith.constant 0 : i32
    %dma_start3A_4 = tpu.memref_slice %arg3[%mul3A_2, %dma_start3A] : memref<3200x250xi32, #tpu.memory_space<hbm>> -> memref<10x250xi32, #tpu.memory_space<hbm>>
    %dma_start3A_5 = arith.constant 0 : i32
    %dma_start3A_6 = tpu.memref_slice %arg3[%mul3A_2, %dma_start3A_5] : memref<3200x250xi32, #tpu.memory_space<hbm>> -> memref<10x250xi32, #tpu.memory_space<hbm>>
    tpu.enqueue_dma source(%dma_start3A_6 : memref<10x250xi32, #tpu.memory_space<hbm>>) target(%arg9 : memref<10x250xi32, #tpu.memory_space<vmem>>) target_semaphore(%arg17 : memref<!tpu.dma_semaphore, #tpu.memory_space<semaphore_mem>>)
    %dma_start3A_7 = arith.constant 0 : i32
    %dma_start3A_8 = tpu.memref_slice %arg4[%mul3A_2, %dma_start3A_7] : memref<3200x250xi32, #tpu.memory_space<hbm>> -> memref<10x250xi32, #tpu.memory_space<hbm>>
    %dma_start3A_9 = arith.constant 0 : i32
    %dma_start3A_10 = tpu.memref_slice %arg4[%mul3A_2, %dma_start3A_9] : memref<3200x250xi32, #tpu.memory_space<hbm>> -> memref<10x250xi32, #tpu.memory_space<hbm>>
    tpu.enqueue_dma source(%dma_start3A_10 : memref<10x250xi32, #tpu.memory_space<hbm>>) target(%arg11 : memref<10x250xi32, #tpu.memory_space<vmem>>) target_semaphore(%arg17 : memref<!tpu.dma_semaphore, #tpu.memory_space<semaphore_mem>>)
    %scan3A = arith.constant 0 : i32
    %scan3A_11 = arith.constant 0 : i32
    %scan3A_12 = arith.constant 250 : i32
    %scan3A_13 = arith.addi %scan3A_11, %scan3A_12 : i32
    %scan3A_14 = arith.constant 1 : i32
    %scan3A_15 = scf.for %scan3A_77 = %scan3A_11 to %scan3A_13 step %scan3A_14 iter_args(%scan3A_78 = %scan3A) -> (i32)  : i32 {
      %swap3A = arith.index_cast %scan3A_77 : i32 to index
      %swap3A_79 = arith.constant 0 : index
      %swap3A_80 = tpu.vector_load %arg7[%swap3A, %swap3A_79] {strides = array<i32>} : memref<250x32xf32, #tpu.memory_space<vmem>>, vector<1x16xf32>,
      %swap3A_81 = vector.shape_cast %swap3A_80 : vector<1x16xf32> to vector<16xf32>
      %swap3A_82 = vector.shape_cast %broadcast_in_dim3A_3 : vector<16xf32> to vector<1x16xf32>
      tpu.vector_store %arg7[%swap3A, %swap3A_79], %swap3A_82 {strides = array<i32>} : memref<250x32xf32, #tpu.memory_space<vmem>>, vector<1x16xf32>,
      %swap3A_83 = arith.index_cast %scan3A_77 : i32 to index
      %swap3A_84 = arith.constant 16 : index
      %swap3A_85 = tpu.vector_load %arg7[%swap3A_83, %swap3A_84] {strides = array<i32>} : memref<250x32xf32, #tpu.memory_space<vmem>>, vector<1x16xf32>,
      %swap3A_86 = vector.shape_cast %swap3A_85 : vector<1x16xf32> to vector<16xf32>
      %swap3A_87 = vector.shape_cast %broadcast_in_dim3A_3 : vector<16xf32> to vector<1x16xf32>
      tpu.vector_store %arg7[%swap3A_83, %swap3A_84], %swap3A_87 {strides = array<i32>} : memref<250x32xf32, #tpu.memory_space<vmem>>, vector<1x16xf32>,
      %swap3A_88 = arith.index_cast %scan3A_77 : i32 to index
      %swap3A_89 = arith.constant 0 : index
      %swap3A_90 = tpu.vector_load %arg8[%swap3A_88, %swap3A_89] {strides = array<i32>} : memref<250x32xf32, #tpu.memory_space<vmem>>, vector<1x16xf32>,
      %swap3A_91 = vector.shape_cast %swap3A_90 : vector<1x16xf32> to vector<16xf32>
      %swap3A_92 = vector.shape_cast %broadcast_in_dim3A_3 : vector<16xf32> to vector<1x16xf32>
      tpu.vector_store %arg8[%swap3A_88, %swap3A_89], %swap3A_92 {strides = array<i32>} : memref<250x32xf32, #tpu.memory_space<vmem>>, vector<1x16xf32>,
      %swap3A_93 = arith.index_cast %scan3A_77 : i32 to index
      %swap3A_94 = arith.constant 16 : index
      %swap3A_95 = tpu.vector_load %arg8[%swap3A_93, %swap3A_94] {strides = array<i32>} : memref<250x32xf32, #tpu.memory_space<vmem>>, vector<1x16xf32>,
      %swap3A_96 = vector.shape_cast %swap3A_95 : vector<1x16xf32> to vector<16xf32>
      %swap3A_97 = vector.shape_cast %broadcast_in_dim3A_3 : vector<16xf32> to vector<1x16xf32>
      tpu.vector_store %arg8[%swap3A_93, %swap3A_94], %swap3A_97 {strides = array<i32>} : memref<250x32xf32, #tpu.memory_space<vmem>>, vector<1x16xf32>,
      %scan3A_98 = arith.constant 0 : i32
      scf.yield %scan3A_98 : i32
    }
    %scan3A_16 = arith.constant 250 : i32
    %scan3A_17 = arith.constant 0 : i32
    %scan3A_18 = arith.constant 0 : i32
    %scan3A_19 = arith.constant 12 : i32
    %scan3A_20 = arith.addi %scan3A_18, %scan3A_19 : i32
    %scan3A_21 = arith.constant 1 : i32
    %scan3A_22 = scf.for %scan3A_77 = %scan3A_18 to %scan3A_20 step %scan3A_21 iter_args(%scan3A_78 = %scan3A_17) -> (i32)  : i32 {
      %mul3A_79 = arith.constant 250 : i32
      %mul3A_80 = arith.muli %scan3A_77, %mul3A_79 : i32
      %add3A_81 = arith.addi %mul3A_0, %mul3A_80 : i32
      "tpu.region"() ({
        %run_scoped3A = tpu.sem_alloc : memref<!tpu.dma_semaphore, #tpu.memory_space<semaphore_mem>>
        %dma_start3A_83 = arith.constant 0 : i32
        %dma_start3A_84 = tpu.memref_slice %arg6[%add3A_81, %dma_start3A_83] : memref<50048x32xf32, #tpu.memory_space<vmem_shared>> -> memref<250x32xf32, #tpu.memory_space<vmem_shared>>
        %dma_start3A_85 = arith.constant 0 : i32
        %dma_start3A_86 = tpu.memref_slice %arg6[%add3A_81, %dma_start3A_85] : memref<50048x32xf32, #tpu.memory_space<vmem_shared>> -> memref<250x32xf32, #tpu.memory_space<vmem_shared>>
        tpu.enqueue_dma source(%arg7 : memref<250x32xf32, #tpu.memory_space<vmem>>) target(%dma_start3A_86 : memref<250x32xf32, #tpu.memory_space<vmem_shared>>) target_semaphore(%run_scoped3A : memref<!tpu.dma_semaphore, #tpu.memory_space<semaphore_mem>>)
        %dma_wait3A_87 = arith.constant 0 : i32
        %dma_wait3A_88 = tpu.memref_slice %arg6[%add3A_81, %dma_wait3A_87] : memref<50048x32xf32, #tpu.memory_space<vmem_shared>> -> memref<250x32xf32, #tpu.memory_space<vmem_shared>>
        %dma_wait3A_89 = arith.constant 0 : i32
        %dma_wait3A_90 = tpu.memref_slice %arg6[%add3A_81, %dma_wait3A_89] : memref<50048x32xf32, #tpu.memory_space<vmem_shared>> -> memref<250x32xf32, #tpu.memory_space<vmem_shared>>
        tpu.wait_dma2 semaphore(%run_scoped3A : memref<!tpu.dma_semaphore, #tpu.memory_space<semaphore_mem>>) src(%arg7 : memref<250x32xf32, #tpu.memory_space<vmem>>) dst(%dma_wait3A_90 : memref<250x32xf32, #tpu.memory_space<vmem_shared>>)
        tpu.yield
      }) : () -> ()
      %scan3A_82 = arith.constant 0 : i32
      scf.yield %scan3A_82 : i32
    }
    %scan3A_23 = arith.constant 12 : i32
    %add3A = arith.constant 3000 : i32
    %add3A_24 = arith.addi %mul3A_0, %add3A : i32
    "tpu.region"() ({
      %run_scoped3A = tpu.sem_alloc : memref<!tpu.dma_semaphore, #tpu.memory_space<semaphore_mem>>
      %dma_start3A_77 = arith.constant 0 : i32
      %dma_start3A_78 = arith.constant 0 : i32
      %dma_start3A_79 = tpu.memref_slice %arg7[%dma_start3A_77, %dma_start3A_78] : memref<250x32xf32, #tpu.memory_space<vmem>> -> memref<128x32xf32, #tpu.memory_space<vmem>>
      %dma_start3A_80 = arith.constant 0 : i32
      %dma_start3A_81 = tpu.memref_slice %arg6[%add3A_24, %dma_start3A_80] : memref<50048x32xf32, #tpu.memory_space<vmem_shared>> -> memref<128x32xf32, #tpu.memory_space<vmem_shared>>
      %dma_start3A_82 = arith.constant 0 : i32
      %dma_start3A_83 = tpu.memref_slice %arg6[%add3A_24, %dma_start3A_82] : memref<50048x32xf32, #tpu.memory_space<vmem_shared>> -> memref<128x32xf32, #tpu.memory_space<vmem_shared>>
      %dma_start3A_84 = arith.constant 0 : i32
      %dma_start3A_85 = arith.constant 0 : i32
      %dma_start3A_86 = tpu.memref_slice %arg7[%dma_start3A_84, %dma_start3A_85] : memref<250x32xf32, #tpu.memory_space<vmem>> -> memref<128x32xf32, #tpu.memory_space<vmem>>
      tpu.enqueue_dma source(%dma_start3A_86 : memref<128x32xf32, #tpu.memory_space<vmem>>) target(%dma_start3A_83 : memref<128x32xf32, #tpu.memory_space<vmem_shared>>) target_semaphore(%run_scoped3A : memref<!tpu.dma_semaphore, #tpu.memory_space<semaphore_mem>>)
      %dma_wait3A_87 = arith.constant 0 : i32
      %dma_wait3A_88 = arith.constant 0 : i32
      %dma_wait3A_89 = tpu.memref_slice %arg7[%dma_wait3A_87, %dma_wait3A_88] : memref<250x32xf32, #tpu.memory_space<vmem>> -> memref<128x32xf32, #tpu.memory_space<vmem>>
      %dma_wait3A_90 = arith.constant 0 : i32
      %dma_wait3A_91 = tpu.memref_slice %arg6[%add3A_24, %dma_wait3A_90] : memref<50048x32xf32, #tpu.memory_space<vmem_shared>> -> memref<128x32xf32, #tpu.memory_space<vmem_shared>>
      %dma_wait3A_92 = arith.constant 0 : i32
      %dma_wait3A_93 = tpu.memref_slice %arg6[%add3A_24, %dma_wait3A_92] : memref<50048x32xf32, #tpu.memory_space<vmem_shared>> -> memref<128x32xf32, #tpu.memory_space<vmem_shared>>
      %dma_wait3A_94 = arith.constant 0 : i32
      %dma_wait3A_95 = arith.constant 0 : i32
      %dma_wait3A_96 = tpu.memref_slice %arg7[%dma_wait3A_94, %dma_wait3A_95] : memref<250x32xf32, #tpu.memory_space<vmem>> -> memref<128x32xf32, #tpu.memory_space<vmem>>
      tpu.wait_dma2 semaphore(%run_scoped3A : memref<!tpu.dma_semaphore, #tpu.memory_space<semaphore_mem>>) src(%dma_wait3A_96 : memref<128x32xf32, #tpu.memory_space<vmem>>) dst(%dma_wait3A_93 : memref<128x32xf32, #tpu.memory_space<vmem_shared>>)
      tpu.yield
    }) : () -> ()
    %dma_wait3A = arith.constant 0 : i32
    %dma_wait3A_25 = arith.constant 0 : i32
    %dma_wait3A_26 = tpu.memref_slice %arg3[%dma_wait3A, %dma_wait3A_25] : memref<3200x250xi32, #tpu.memory_space<hbm>> -> memref<10x250xi32, #tpu.memory_space<hbm>>
    %dma_wait3A_27 = arith.constant 0 : i32
    %dma_wait3A_28 = arith.constant 0 : i32
    %dma_wait3A_29 = tpu.memref_slice %arg3[%dma_wait3A_27, %dma_wait3A_28] : memref<3200x250xi32, #tpu.memory_space<hbm>> -> memref<10x250xi32, #tpu.memory_space<hbm>>
    tpu.wait_dma2 semaphore(%arg17 : memref<!tpu.dma_semaphore, #tpu.memory_space<semaphore_mem>>) src(%dma_wait3A_29 : memref<10x250xi32, #tpu.memory_space<hbm>>) dst(%arg9 : memref<10x250xi32, #tpu.memory_space<vmem>>)
    %dma_wait3A_30 = arith.constant 0 : i32
    %dma_wait3A_31 = arith.constant 0 : i32
    %dma_wait3A_32 = tpu.memref_slice %arg4[%dma_wait3A_30, %dma_wait3A_31] : memref<3200x250xi32, #tpu.memory_space<hbm>> -> memref<10x250xi32, #tpu.memory_space<hbm>>
    %dma_wait3A_33 = arith.constant 0 : i32
    %dma_wait3A_34 = arith.constant 0 : i32
    %dma_wait3A_35 = tpu.memref_slice %arg4[%dma_wait3A_33, %dma_wait3A_34] : memref<3200x250xi32, #tpu.memory_space<hbm>> -> memref<10x250xi32, #tpu.memory_space<hbm>>
    tpu.wait_dma2 semaphore(%arg17 : memref<!tpu.dma_semaphore, #tpu.memory_space<semaphore_mem>>) src(%dma_wait3A_35 : memref<10x250xi32, #tpu.memory_space<hbm>>) dst(%arg11 : memref<10x250xi32, #tpu.memory_space<vmem>>)
    %barrier3A = arith.constant 0 : index
    tpu.barrier barrier_id(%barrier3A)
    %dma_start3A_36 = arith.constant 0 : i32
    %dma_start3A_37 = arith.constant 0 : i32
    %dma_start3A_38 = tpu.memref_slice %arg9[%dma_start3A_36, %dma_start3A_37] : memref<10x250xi32, #tpu.memory_space<vmem>> -> memref<1x250xi32, #tpu.memory_space<vmem>>
    %dma_start3A_39 = tpu.memref_squeeze %dma_start3A_38 : memref<1x250xi32, #tpu.memory_space<vmem>> -> memref<250xi32, #tpu.memory_space<vmem>>
    %dma_start3A_40 = arith.constant 0 : i32
    %dma_start3A_41 = arith.constant 0 : i32
    %dma_start3A_42 = tpu.memref_slice %arg2[%arg0, %dma_start3A_40, %dma_start3A_41] : memref<2x800768x32xf32, #tpu.memory_space<hbm>> -> memref<1x800768x32xf32, #tpu.memory_space<hbm>>
    %dma_start3A_43 = tpu.memref_squeeze %dma_start3A_42 : memref<1x800768x32xf32, #tpu.memory_space<hbm>> -> memref<800768x32xf32, #tpu.memory_space<hbm>>
    %dma_start3A_44 = arith.constant 0 : i32
    %dma_start3A_45 = arith.constant 0 : i32
    %dma_start3A_46 = tpu.memref_slice %dma_start3A_43[%dma_start3A_44, %dma_start3A_45] : memref<800768x32xf32, #tpu.memory_space<hbm>> -> memref<800768x32xf32, #tpu.memory_space<hbm>>
    tpu.enqueue_indirect_dma source(%dma_start3A_46 : memref<800768x32xf32, #tpu.memory_space<hbm>>) target(%arg7 : memref<250x32xf32, #tpu.memory_space<vmem>>) offsets(%dma_start3A_39 : memref<250xi32, #tpu.memory_space<vmem>>) semaphore(%arg13 : memref<!tpu.dma_semaphore, #tpu.memory_space<semaphore_mem>>)
    %dma_start3A_47 = arith.constant 0 : i32
    %dma_start3A_48 = arith.constant 0 : i32
    %dma_start3A_49 = tpu.memref_slice %arg11[%dma_start3A_47, %dma_start3A_48] : memref<10x250xi32, #tpu.memory_space<vmem>> -> memref<1x250xi32, #tpu.memory_space<vmem>>
    %dma_start3A_50 = tpu.memref_squeeze %dma_start3A_49 : memref<1x250xi32, #tpu.memory_space<vmem>> -> memref<250xi32, #tpu.memory_space<vmem>>
    %dma_start3A_51 = arith.constant 0 : i32
    %dma_start3A_52 = arith.constant 0 : i32
    %dma_start3A_53 = tpu.memref_slice %arg6[%dma_start3A_51, %dma_start3A_52] : memref<50048x32xf32, #tpu.memory_space<vmem_shared>> -> memref<50048x32xf32, #tpu.memory_space<vmem_shared>>
    tpu.enqueue_indirect_dma source(%arg8 : memref<250x32xf32, #tpu.memory_space<vmem>>) target(%dma_start3A_53 : memref<50048x32xf32, #tpu.memory_space<vmem_shared>>) offsets(%dma_start3A_50 : memref<250xi32, #tpu.memory_space<vmem>>) semaphore(%arg16 : memref<!tpu.dma_semaphore, #tpu.memory_space<semaphore_mem>>) {add = true}
    %scan3A_54 = arith.constant 0 : i32
    %scan3A_55 = arith.constant 0 : i32
    %scan3A_56 = arith.constant 10 : i32
    %scan3A_57 = arith.addi %scan3A_55, %scan3A_56 : i32
    %scan3A_58 = arith.constant 1 : i32
    %scan3A_59 = scf.for %scan3A_77 = %scan3A_55 to %scan3A_57 step %scan3A_58 iter_args(%scan3A_78 = %scan3A_54) -> (i32)  : i32 {
      %mul3A_79 = arith.constant 2 : i32
      %mul3A_80 = arith.muli %mul3A_79, %scan3A_77 : i32
      %add3A_81 = arith.constant 1 : i32
      %add3A_82 = arith.addi %mul3A_80, %add3A_81 : i32
      %mul3A_83 = arith.constant 10 : i32
      %mul3A_84 = arith.muli %add3A_82, %mul3A_83 : i32
      %add3A_85 = arith.addi %mul3A_2, %mul3A_84 : i32
      %dma_start3A_86 = arith.constant 0 : i32
      %dma_start3A_87 = tpu.memref_slice %arg3[%add3A_85, %dma_start3A_86] : memref<3200x250xi32, #tpu.memory_space<hbm>> -> memref<10x250xi32, #tpu.memory_space<hbm>>
      %dma_start3A_88 = arith.constant 0 : i32
      %dma_start3A_89 = tpu.memref_slice %arg3[%add3A_85, %dma_start3A_88] : memref<3200x250xi32, #tpu.memory_space<hbm>> -> memref<10x250xi32, #tpu.memory_space<hbm>>
      tpu.enqueue_dma source(%dma_start3A_89 : memref<10x250xi32, #tpu.memory_space<hbm>>) target(%arg10 : memref<10x250xi32, #tpu.memory_space<vmem>>) target_semaphore(%arg18 : memref<!tpu.dma_semaphore, #tpu.memory_space<semaphore_mem>>)
      %dma_start3A_90 = arith.constant 0 : i32
      %dma_start3A_91 = tpu.memref_slice %arg4[%add3A_85, %dma_start3A_90] : memref<3200x250xi32, #tpu.memory_space<hbm>> -> memref<10x250xi32, #tpu.memory_space<hbm>>
      %dma_start3A_92 = arith.constant 0 : i32
      %dma_start3A_93 = tpu.memref_slice %arg4[%add3A_85, %dma_start3A_92] : memref<3200x250xi32, #tpu.memory_space<hbm>> -> memref<10x250xi32, #tpu.memory_space<hbm>>
      tpu.enqueue_dma source(%dma_start3A_93 : memref<10x250xi32, #tpu.memory_space<hbm>>) target(%arg12 : memref<10x250xi32, #tpu.memory_space<vmem>>) target_semaphore(%arg18 : memref<!tpu.dma_semaphore, #tpu.memory_space<semaphore_mem>>)
      %dma_wait3A_94 = arith.constant 0 : i32
      %dma_wait3A_95 = arith.constant 0 : i32
      %dma_wait3A_96 = arith.constant 0 : i32
      %dma_wait3A_97 = tpu.memref_slice %arg5[%dma_wait3A_94, %dma_wait3A_95, %dma_wait3A_96] : memref<2x50048x32xf32, #tpu.memory_space<hbm>> -> memref<1x250x32xf32, #tpu.memory_space<hbm>>
      %dma_wait3A_98 = tpu.memref_squeeze %dma_wait3A_97 : memref<1x250x32xf32, #tpu.memory_space<hbm>> -> memref<250x32xf32, #tpu.memory_space<hbm>>
      %dma_wait3A_99 = arith.constant 0 : i32
      %dma_wait3A_100 = arith.constant 0 : i32
      %dma_wait3A_101 = tpu.memref_slice %arg5[%dma_wait3A_94, %dma_wait3A_99, %dma_wait3A_100] : memref<2x50048x32xf32, #tpu.memory_space<hbm>> -> memref<1x250x32xf32, #tpu.memory_space<hbm>>
      %dma_wait3A_102 = tpu.memref_squeeze %dma_wait3A_101 : memref<1x250x32xf32, #tpu.memory_space<hbm>> -> memref<250x32xf32, #tpu.memory_space<hbm>>
      tpu.wait_dma2 semaphore(%arg13 : memref<!tpu.dma_semaphore, #tpu.memory_space<semaphore_mem>>) src(%dma_wait3A_102 : memref<250x32xf32, #tpu.memory_space<hbm>>) dst(%arg7 : memref<250x32xf32, #tpu.memory_space<vmem>>)
      %dma_start3A_103 = arith.constant 0 : i32
      %dma_start3A_104 = arith.constant 0 : i32
      %dma_start3A_105 = tpu.memref_slice %arg11[%dma_start3A_103, %dma_start3A_104] : memref<10x250xi32, #tpu.memory_space<vmem>> -> memref<1x250xi32, #tpu.memory_space<vmem>>
      %dma_start3A_106 = tpu.memref_squeeze %dma_start3A_105 : memref<1x250xi32, #tpu.memory_space<vmem>> -> memref<250xi32, #tpu.memory_space<vmem>>
      %dma_start3A_107 = arith.constant 0 : i32
      %dma_start3A_108 = arith.constant 0 : i32
      %dma_start3A_109 = tpu.memref_slice %arg6[%dma_start3A_107, %dma_start3A_108] : memref<50048x32xf32, #tpu.memory_space<vmem_shared>> -> memref<50048x32xf32, #tpu.memory_space<vmem_shared>>
      tpu.enqueue_indirect_dma source(%arg7 : memref<250x32xf32, #tpu.memory_space<vmem>>) target(%dma_start3A_109 : memref<50048x32xf32, #tpu.memory_space<vmem_shared>>) offsets(%dma_start3A_106 : memref<250xi32, #tpu.memory_space<vmem>>) semaphore(%arg15 : memref<!tpu.dma_semaphore, #tpu.memory_space<semaphore_mem>>) {add = true}
      %dma_wait3A_110 = arith.constant 0 : i32
      %dma_wait3A_111 = arith.constant 0 : i32
      %dma_wait3A_112 = tpu.memref_slice %arg6[%dma_wait3A_110, %dma_wait3A_111] : memref<50048x32xf32, #tpu.memory_space<vmem_shared>> -> memref<250x32xf32, #tpu.memory_space<vmem_shared>>
      %dma_wait3A_113 = arith.constant 0 : i32
      %dma_wait3A_114 = arith.constant 0 : i32
      %dma_wait3A_115 = tpu.memref_slice %arg6[%dma_wait3A_113, %dma_wait3A_114] : memref<50048x32xf32, #tpu.memory_space<vmem_shared>> -> memref<250x32xf32, #tpu.memory_space<vmem_shared>>
      tpu.wait_dma2 semaphore(%arg16 : memref<!tpu.dma_semaphore, #tpu.memory_space<semaphore_mem>>) src(%arg8 : memref<250x32xf32, #tpu.memory_space<vmem>>) dst(%dma_wait3A_115 : memref<250x32xf32, #tpu.memory_space<vmem_shared>>)
      %dma_start3A_116 = arith.constant 1 : i32
      %dma_start3A_117 = arith.constant 0 : i32
      %dma_start3A_118 = tpu.memref_slice %arg9[%dma_start3A_116, %dma_start3A_117] : memref<10x250xi32, #tpu.memory_space<vmem>> -> memref<1x250xi32, #tpu.memory_space<vmem>>
      %dma_start3A_119 = tpu.memref_squeeze %dma_start3A_118 : memref<1x250xi32, #tpu.memory_space<vmem>> -> memref<250xi32, #tpu.memory_space<vmem>>
      %dma_start3A_120 = arith.constant 0 : i32
      %dma_start3A_121 = arith.constant 0 : i32
      %dma_start3A_122 = tpu.memref_slice %arg2[%arg0, %dma_start3A_120, %dma_start3A_121] : memref<2x800768x32xf32, #tpu.memory_space<hbm>> -> memref<1x800768x32xf32, #tpu.memory_space<hbm>>
      %dma_start3A_123 = tpu.memref_squeeze %dma_start3A_122 : memref<1x800768x32xf32, #tpu.memory_space<hbm>> -> memref<800768x32xf32, #tpu.memory_space<hbm>>
      %dma_start3A_124 = arith.constant 0 : i32
      %dma_start3A_125 = arith.constant 0 : i32
      %dma_start3A_126 = tpu.memref_slice %dma_start3A_123[%dma_start3A_124, %dma_start3A_125] : memref<800768x32xf32, #tpu.memory_space<hbm>> -> memref<800768x32xf32, #tpu.memory_space<hbm>>
      tpu.enqueue_indirect_dma source(%dma_start3A_126 : memref<800768x32xf32, #tpu.memory_space<hbm>>) target(%arg8 : memref<250x32xf32, #tpu.memory_space<vmem>>) offsets(%dma_start3A_119 : memref<250xi32, #tpu.memory_space<vmem>>) semaphore(%arg14 : memref<!tpu.dma_semaphore, #tpu.memory_space<semaphore_mem>>)
      %dma_wait3A_127 = arith.constant 0 : i32
      %dma_wait3A_128 = arith.constant 0 : i32
      %dma_wait3A_129 = arith.constant 0 : i32
      %dma_wait3A_130 = tpu.memref_slice %arg5[%dma_wait3A_127, %dma_wait3A_128, %dma_wait3A_129] : memref<2x50048x32xf32, #tpu.memory_space<hbm>> -> memref<1x250x32xf32, #tpu.memory_space<hbm>>
      %dma_wait3A_131 = tpu.memref_squeeze %dma_wait3A_130 : memref<1x250x32xf32, #tpu.memory_space<hbm>> -> memref<250x32xf32, #tpu.memory_space<hbm>>
      %dma_wait3A_132 = arith.constant 0 : i32
      %dma_wait3A_133 = arith.constant 0 : i32
      %dma_wait3A_134 = tpu.memref_slice %arg5[%dma_wait3A_127, %dma_wait3A_132, %dma_wait3A_133] : memref<2x50048x32xf32, #tpu.memory_space<hbm>> -> memref<1x250x32xf32, #tpu.memory_space<hbm>>
      %dma_wait3A_135 = tpu.memref_squeeze %dma_wait3A_134 : memref<1x250x32xf32, #tpu.memory_space<hbm>> -> memref<250x32xf32, #tpu.memory_space<hbm>>
      tpu.wait_dma2 semaphore(%arg14 : memref<!tpu.dma_semaphore, #tpu.memory_space<semaphore_mem>>) src(%dma_wait3A_135 : memref<250x32xf32, #tpu.memory_space<hbm>>) dst(%arg8 : memref<250x32xf32, #tpu.memory_space<vmem>>)
      %dma_start3A_136 = arith.constant 1 : i32
      %dma_start3A_137 = arith.constant 0 : i32
      %dma_start3A_138 = tpu.memref_slice %arg11[%dma_start3A_136, %dma_start3A_137] : memref<10x250xi32, #tpu.memory_space<vmem>> -> memref<1x250xi32, #tpu.memory_space<vmem>>
      %dma_start3A_139 = tpu.memref_squeeze %dma_start3A_138 : memref<1x250xi32, #tpu.memory_space<vmem>> -> memref<250xi32, #tpu.memory_space<vmem>>
      %dma_start3A_140 = arith.constant 0 : i32
      %dma_start3A_141 = arith.constant 0 : i32
      %dma_start3A_142 = tpu.memref_slice %arg6[%dma_start3A_140, %dma_start3A_141] : memref<50048x32xf32, #tpu.memory_space<vmem_shared>> -> memref<50048x32xf32, #tpu.memory_space<vmem_shared>>
      tpu.enqueue_indirect_dma source(%arg8 : memref<250x32xf32, #tpu.memory_space<vmem>>) target(%dma_start3A_142 : memref<50048x32xf32, #tpu.memory_space<vmem_shared>>) offsets(%dma_start3A_139 : memref<250xi32, #tpu.memory_space<vmem>>) semaphore(%arg16 : memref<!tpu.dma_semaphore, #tpu.memory_space<semaphore_mem>>) {add = true}
      %dma_wait3A_143 = arith.constant 0 : i32
      %dma_wait3A_144 = arith.constant 0 : i32
      %dma_wait3A_145 = tpu.memref_slice %arg6[%dma_wait3A_143, %dma_wait3A_144] : memref<50048x32xf32, #tpu.memory_space<vmem_shared>> -> memref<250x32xf32, #tpu.memory_space<vmem_shared>>
      %dma_wait3A_146 = arith.constant 0 : i32
      %dma_wait3A_147 = arith.constant 0 : i32
      %dma_wait3A_148 = tpu.memref_slice %arg6[%dma_wait3A_146, %dma_wait3A_147] : memref<50048x32xf32, #tpu.memory_space<vmem_shared>> -> memref<250x32xf32, #tpu.memory_space<vmem_shared>>
      tpu.wait_dma2 semaphore(%arg15 : memref<!tpu.dma_semaphore, #tpu.memory_space<semaphore_mem>>) src(%arg7 : memref<250x32xf32, #tpu.memory_space<vmem>>) dst(%dma_wait3A_148 : memref<250x32xf32, #tpu.memory_space<vmem_shared>>)
      %dma_start3A_149 = arith.constant 2 : i32
      %dma_start3A_150 = arith.constant 0 : i32
      %dma_start3A_151 = tpu.memref_slice %arg9[%dma_start3A_149, %dma_start3A_150] : memref<10x250xi32, #tpu.memory_space<vmem>> -> memref<1x250xi32, #tpu.memory_space<vmem>>
      %dma_start3A_152 = tpu.memref_squeeze %dma_start3A_151 : memref<1x250xi32, #tpu.memory_space<vmem>> -> memref<250xi32, #tpu.memory_space<vmem>>
      %dma_start3A_153 = arith.constant 0 : i32
      %dma_start3A_154 = arith.constant 0 : i32
      %dma_start3A_155 = tpu.memref_slice %arg2[%arg0, %dma_start3A_153, %dma_start3A_154] : memref<2x800768x32xf32, #tpu.memory_space<hbm>> -> memref<1x800768x32xf32, #tpu.memory_space<hbm>>
      %dma_start3A_156 = tpu.memref_squeeze %dma_start3A_155 : memref<1x800768x32xf32, #tpu.memory_space<hbm>> -> memref<800768x32xf32, #tpu.memory_space<hbm>>
      %dma_start3A_157 = arith.constant 0 : i32
      %dma_start3A_158 = arith.constant 0 : i32
      %dma_start3A_159 = tpu.memref_slice %dma_start3A_156[%dma_start3A_157, %dma_start3A_158] : memref<800768x32xf32, #tpu.memory_space<hbm>> -> memref<800768x32xf32, #tpu.memory_space<hbm>>
      tpu.enqueue_indirect_dma source(%dma_start3A_159 : memref<800768x32xf32, #tpu.memory_space<hbm>>) target(%arg7 : memref<250x32xf32, #tpu.memory_space<vmem>>) offsets(%dma_start3A_152 : memref<250xi32, #tpu.memory_space<vmem>>) semaphore(%arg13 : memref<!tpu.dma_semaphore, #tpu.memory_space<semaphore_mem>>)
      %dma_wait3A_160 = arith.constant 0 : i32
      %dma_wait3A_161 = arith.constant 0 : i32
      %dma_wait3A_162 = arith.constant 0 : i32
      %dma_wait3A_163 = tpu.memref_slice %arg5[%dma_wait3A_160, %dma_wait3A_161, %dma_wait3A_162] : memref<2x50048x32xf32, #tpu.memory_space<hbm>> -> memref<1x250x32xf32, #tpu.memory_space<hbm>>
      %dma_wait3A_164 = tpu.memref_squeeze %dma_wait3A_163 : memref<1x250x32xf32, #tpu.memory_space<hbm>> -> memref<250x32xf32, #tpu.memory_space<hbm>>
      %dma_wait3A_165 = arith.constant 0 : i32
      %dma_wait3A_166 = arith.constant 0 : i32
      %dma_wait3A_167 = tpu.memref_slice %arg5[%dma_wait3A_160, %dma_wait3A_165, %dma_wait3A_166] : memref<2x50048x32xf32, #tpu.memory_space<hbm>> -> memref<1x250x32xf32, #tpu.memory_space<hbm>>
      %dma_wait3A_168 = tpu.memref_squeeze %dma_wait3A_167 : memref<1x250x32xf32, #tpu.memory_space<hbm>> -> memref<250x32xf32, #tpu.memory_space<hbm>>
      tpu.wait_dma2 semaphore(%arg13 : memref<!tpu.dma_semaphore, #tpu.memory_space<semaphore_mem>>) src(%dma_wait3A_168 : memref<250x32xf32, #tpu.memory_space<hbm>>) dst(%arg7 : memref<250x32xf32, #tpu.memory_space<vmem>>)
      %dma_start3A_169 = arith.constant 2 : i32
      %dma_start3A_170 = arith.constant 0 : i32
      %dma_start3A_171 = tpu.memref_slice %arg11[%dma_start3A_169, %dma_start3A_170] : memref<10x250xi32, #tpu.memory_space<vmem>> -> memref<1x250xi32, #tpu.memory_space<vmem>>
      %dma_start3A_172 = tpu.memref_squeeze %dma_start3A_171 : memref<1x250xi32, #tpu.memory_space<vmem>> -> memref<250xi32, #tpu.memory_space<vmem>>
      %dma_start3A_173 = arith.constant 0 : i32
      %dma_start3A_174 = arith.constant 0 : i32
      %dma_start3A_175 = tpu.memref_slice %arg6[%dma_start3A_173, %dma_start3A_174] : memref<50048x32xf32, #tpu.memory_space<vmem_shared>> -> memref<50048x32xf32, #tpu.memory_space<vmem_shared>>
      tpu.enqueue_indirect_dma source(%arg7 : memref<250x32xf32, #tpu.memory_space<vmem>>) target(%dma_start3A_175 : memref<50048x32xf32, #tpu.memory_space<vmem_shared>>) offsets(%dma_start3A_172 : memref<250xi32, #tpu.memory_space<vmem>>) semaphore(%arg15 : memref<!tpu.dma_semaphore, #tpu.memory_space<semaphore_mem>>) {add = true}
      %dma_wait3A_176 = arith.constant 0 : i32
      %dma_wait3A_177 = arith.constant 0 : i32
      %dma_wait3A_178 = tpu.memref_slice %arg6[%dma_wait3A_176, %dma_wait3A_177] : memref<50048x32xf32, #tpu.memory_space<vmem_shared>> -> memref<250x32xf32, #tpu.memory_space<vmem_shared>>
      %dma_wait3A_179 = arith.constant 0 : i32
      %dma_wait3A_180 = arith.constant 0 : i32
      %dma_wait3A_181 = tpu.memref_slice %arg6[%dma_wait3A_179, %dma_wait3A_180] : memref<50048x32xf32, #tpu.memory_space<vmem_shared>> -> memref<250x32xf32, #tpu.memory_space<vmem_shared>>
      tpu.wait_dma2 semaphore(%arg16 : memref<!tpu.dma_semaphore, #tpu.memory_space<semaphore_mem>>) src(%arg8 : memref<250x32xf32, #tpu.memory_space<vmem>>) dst(%dma_wait3A_181 : memref<250x32xf32, #tpu.memory_space<vmem_shared>>)
      %dma_start3A_182 = arith.constant 3 : i32
      %dma_start3A_183 = arith.constant 0 : i32
      %dma_start3A_184 = tpu.memref_slice %arg9[%dma_start3A_182, %dma_start3A_183] : memref<10x250xi32, #tpu.memory_space<vmem>> -> memref<1x250xi32, #tpu.memory_space<vmem>>
      %dma_start3A_185 = tpu.memref_squeeze %dma_start3A_184 : memref<1x250xi32, #tpu.memory_space<vmem>> -> memref<250xi32, #tpu.memory_space<vmem>>
      %dma_start3A_186 = arith.constant 0 : i32
      %dma_start3A_187 = arith.constant 0 : i32
      %dma_start3A_188 = tpu.memref_slice %arg2[%arg0, %dma_start3A_186, %dma_start3A_187] : memref<2x800768x32xf32, #tpu.memory_space<hbm>> -> memref<1x800768x32xf32, #tpu.memory_space<hbm>>
      %dma_start3A_189 = tpu.memref_squeeze %dma_start3A_188 : memref<1x800768x32xf32, #tpu.memory_space<hbm>> -> memref<800768x32xf32, #tpu.memory_space<hbm>>
      %dma_start3A_190 = arith.constant 0 : i32
      %dma_start3A_191 = arith.constant 0 : i32
      %dma_start3A_192 = tpu.memref_slice %dma_start3A_189[%dma_start3A_190, %dma_start3A_191] : memref<800768x32xf32, #tpu.memory_space<hbm>> -> memref<800768x32xf32, #tpu.memory_space<hbm>>
      tpu.enqueue_indirect_dma source(%dma_start3A_192 : memref<800768x32xf32, #tpu.memory_space<hbm>>) target(%arg8 : memref<250x32xf32, #tpu.memory_space<vmem>>) offsets(%dma_start3A_185 : memref<250xi32, #tpu.memory_space<vmem>>) semaphore(%arg14 : memref<!tpu.dma_semaphore, #tpu.memory_space<semaphore_mem>>)
      %dma_wait3A_193 = arith.constant 0 : i32
      %dma_wait3A_194 = arith.constant 0 : i32
      %dma_wait3A_195 = arith.constant 0 : i32
      %dma_wait3A_196 = tpu.memref_slice %arg5[%dma_wait3A_193, %dma_wait3A_194, %dma_wait3A_195] : memref<2x50048x32xf32, #tpu.memory_space<hbm>> -> memref<1x250x32xf32, #tpu.memory_space<hbm>>
      %dma_wait3A_197 = tpu.memref_squeeze %dma_wait3A_196 : memref<1x250x32xf32, #tpu.memory_space<hbm>> -> memref<250x32xf32, #tpu.memory_space<hbm>>
      %dma_wait3A_198 = arith.constant 0 : i32
      %dma_wait3A_199 = arith.constant 0 : i32
      %dma_wait3A_200 = tpu.memref_slice %arg5[%dma_wait3A_193, %dma_wait3A_198, %dma_wait3A_199] : memref<2x50048x32xf32, #tpu.memory_space<hbm>> -> memref<1x250x32xf32, #tpu.memory_space<hbm>>
      %dma_wait3A_201 = tpu.memref_squeeze %dma_wait3A_200 : memref<1x250x32xf32, #tpu.memory_space<hbm>> -> memref<250x32xf32, #tpu.memory_space<hbm>>
      tpu.wait_dma2 semaphore(%arg14 : memref<!tpu.dma_semaphore, #tpu.memory_space<semaphore_mem>>) src(%dma_wait3A_201 : memref<250x32xf32, #tpu.memory_space<hbm>>) dst(%arg8 : memref<250x32xf32, #tpu.memory_space<vmem>>)
      %dma_start3A_202 = arith.constant 3 : i32
      %dma_start3A_203 = arith.constant 0 : i32
      %dma_start3A_204 = tpu.memref_slice %arg11[%dma_start3A_202, %dma_start3A_203] : memref<10x250xi32, #tpu.memory_space<vmem>> -> memref<1x250xi32, #tpu.memory_space<vmem>>
      %dma_start3A_205 = tpu.memref_squeeze %dma_start3A_204 : memref<1x250xi32, #tpu.memory_space<vmem>> -> memref<250xi32, #tpu.memory_space<vmem>>
      %dma_start3A_206 = arith.constant 0 : i32
      %dma_start3A_207 = arith.constant 0 : i32
      %dma_start3A_208 = tpu.memref_slice %arg6[%dma_start3A_206, %dma_start3A_207] : memref<50048x32xf32, #tpu.memory_space<vmem_shared>> -> memref<50048x32xf32, #tpu.memory_space<vmem_shared>>
      tpu.enqueue_indirect_dma source(%arg8 : memref<250x32xf32, #tpu.memory_space<vmem>>) target(%dma_start3A_208 : memref<50048x32xf32, #tpu.memory_space<vmem_shared>>) offsets(%dma_start3A_205 : memref<250xi32, #tpu.memory_space<vmem>>) semaphore(%arg16 : memref<!tpu.dma_semaphore, #tpu.memory_space<semaphore_mem>>) {add = true}
      %dma_wait3A_209 = arith.constant 0 : i32
      %dma_wait3A_210 = arith.constant 0 : i32
      %dma_wait3A_211 = tpu.memref_slice %arg6[%dma_wait3A_209, %dma_wait3A_210] : memref<50048x32xf32, #tpu.memory_space<vmem_shared>> -> memref<250x32xf32, #tpu.memory_space<vmem_shared>>
      %dma_wait3A_212 = arith.constant 0 : i32
      %dma_wait3A_213 = arith.constant 0 : i32
      %dma_wait3A_214 = tpu.memref_slice %arg6[%dma_wait3A_212, %dma_wait3A_213] : memref<50048x32xf32, #tpu.memory_space<vmem_shared>> -> memref<250x32xf32, #tpu.memory_space<vmem_shared>>
      tpu.wait_dma2 semaphore(%arg15 : memref<!tpu.dma_semaphore, #tpu.memory_space<semaphore_mem>>) src(%arg7 : memref<250x32xf32, #tpu.memory_space<vmem>>) dst(%dma_wait3A_214 : memref<250x32xf32, #tpu.memory_space<vmem_shared>>)
      %dma_start3A_215 = arith.constant 4 : i32
      %dma_start3A_216 = arith.constant 0 : i32
      %dma_start3A_217 = tpu.memref_slice %arg9[%dma_start3A_215, %dma_start3A_216] : memref<10x250xi32, #tpu.memory_space<vmem>> -> memref<1x250xi32, #tpu.memory_space<vmem>>
      %dma_start3A_218 = tpu.memref_squeeze %dma_start3A_217 : memref<1x250xi32, #tpu.memory_space<vmem>> -> memref<250xi32, #tpu.memory_space<vmem>>
      %dma_start3A_219 = arith.constant 0 : i32
      %dma_start3A_220 = arith.constant 0 : i32
      %dma_start3A_221 = tpu.memref_slice %arg2[%arg0, %dma_start3A_219, %dma_start3A_220] : memref<2x800768x32xf32, #tpu.memory_space<hbm>> -> memref<1x800768x32xf32, #tpu.memory_space<hbm>>
      %dma_start3A_222 = tpu.memref_squeeze %dma_start3A_221 : memref<1x800768x32xf32, #tpu.memory_space<hbm>> -> memref<800768x32xf32, #tpu.memory_space<hbm>>
      %dma_start3A_223 = arith.constant 0 : i32
      %dma_start3A_224 = arith.constant 0 : i32
      %dma_start3A_225 = tpu.memref_slice %dma_start3A_222[%dma_start3A_223, %dma_start3A_224] : memref<800768x32xf32, #tpu.memory_space<hbm>> -> memref<800768x32xf32, #tpu.memory_space<hbm>>
      tpu.enqueue_indirect_dma source(%dma_start3A_225 : memref<800768x32xf32, #tpu.memory_space<hbm>>) target(%arg7 : memref<250x32xf32, #tpu.memory_space<vmem>>) offsets(%dma_start3A_218 : memref<250xi32, #tpu.memory_space<vmem>>) semaphore(%arg13 : memref<!tpu.dma_semaphore, #tpu.memory_space<semaphore_mem>>)
      %dma_wait3A_226 = arith.constant 0 : i32
      %dma_wait3A_227 = arith.constant 0 : i32
      %dma_wait3A_228 = arith.constant 0 : i32
      %dma_wait3A_229 = tpu.memref_slice %arg5[%dma_wait3A_226, %dma_wait3A_227, %dma_wait3A_228] : memref<2x50048x32xf32, #tpu.memory_space<hbm>> -> memref<1x250x32xf32, #tpu.memory_space<hbm>>
      %dma_wait3A_230 = tpu.memref_squeeze %dma_wait3A_229 : memref<1x250x32xf32, #tpu.memory_space<hbm>> -> memref<250x32xf32, #tpu.memory_space<hbm>>
      %dma_wait3A_231 = arith.constant 0 : i32
      %dma_wait3A_232 = arith.constant 0 : i32
      %dma_wait3A_233 = tpu.memref_slice %arg5[%dma_wait3A_226, %dma_wait3A_231, %dma_wait3A_232] : memref<2x50048x32xf32, #tpu.memory_space<hbm>> -> memref<1x250x32xf32, #tpu.memory_space<hbm>>
      %dma_wait3A_234 = tpu.memref_squeeze %dma_wait3A_233 : memref<1x250x32xf32, #tpu.memory_space<hbm>> -> memref<250x32xf32, #tpu.memory_space<hbm>>
      tpu.wait_dma2 semaphore(%arg13 : memref<!tpu.dma_semaphore, #tpu.memory_space<semaphore_mem>>) src(%dma_wait3A_234 : memref<250x32xf32, #tpu.memory_space<hbm>>) dst(%arg7 : memref<250x32xf32, #tpu.memory_space<vmem>>)
      %dma_start3A_235 = arith.constant 4 : i32
      %dma_start3A_236 = arith.constant 0 : i32
      %dma_start3A_237 = tpu.memref_slice %arg11[%dma_start3A_235, %dma_start3A_236] : memref<10x250xi32, #tpu.memory_space<vmem>> -> memref<1x250xi32, #tpu.memory_space<vmem>>
      %dma_start3A_238 = tpu.memref_squeeze %dma_start3A_237 : memref<1x250xi32, #tpu.memory_space<vmem>> -> memref<250xi32, #tpu.memory_space<vmem>>
      %dma_start3A_239 = arith.constant 0 : i32
      %dma_start3A_240 = arith.constant 0 : i32
      %dma_start3A_241 = tpu.memref_slice %arg6[%dma_start3A_239, %dma_start3A_240] : memref<50048x32xf32, #tpu.memory_space<vmem_shared>> -> memref<50048x32xf32, #tpu.memory_space<vmem_shared>>
      tpu.enqueue_indirect_dma source(%arg7 : memref<250x32xf32, #tpu.memory_space<vmem>>) target(%dma_start3A_241 : memref<50048x32xf32, #tpu.memory_space<vmem_shared>>) offsets(%dma_start3A_238 : memref<250xi32, #tpu.memory_space<vmem>>) semaphore(%arg15 : memref<!tpu.dma_semaphore, #tpu.memory_space<semaphore_mem>>) {add = true}
      %dma_wait3A_242 = arith.constant 0 : i32
      %dma_wait3A_243 = arith.constant 0 : i32
      %dma_wait3A_244 = tpu.memref_slice %arg6[%dma_wait3A_242, %dma_wait3A_243] : memref<50048x32xf32, #tpu.memory_space<vmem_shared>> -> memref<250x32xf32, #tpu.memory_space<vmem_shared>>
      %dma_wait3A_245 = arith.constant 0 : i32
      %dma_wait3A_246 = arith.constant 0 : i32
      %dma_wait3A_247 = tpu.memref_slice %arg6[%dma_wait3A_245, %dma_wait3A_246] : memref<50048x32xf32, #tpu.memory_space<vmem_shared>> -> memref<250x32xf32, #tpu.memory_space<vmem_shared>>
      tpu.wait_dma2 semaphore(%arg16 : memref<!tpu.dma_semaphore, #tpu.memory_space<semaphore_mem>>) src(%arg8 : memref<250x32xf32, #tpu.memory_space<vmem>>) dst(%dma_wait3A_247 : memref<250x32xf32, #tpu.memory_space<vmem_shared>>)
      %dma_start3A_248 = arith.constant 5 : i32
      %dma_start3A_249 = arith.constant 0 : i32
      %dma_start3A_250 = tpu.memref_slice %arg9[%dma_start3A_248, %dma_start3A_249] : memref<10x250xi32, #tpu.memory_space<vmem>> -> memref<1x250xi32, #tpu.memory_space<vmem>>
      %dma_start3A_251 = tpu.memref_squeeze %dma_start3A_250 : memref<1x250xi32, #tpu.memory_space<vmem>> -> memref<250xi32, #tpu.memory_space<vmem>>
      %dma_start3A_252 = arith.constant 0 : i32
      %dma_start3A_253 = arith.constant 0 : i32
      %dma_start3A_254 = tpu.memref_slice %arg2[%arg0, %dma_start3A_252, %dma_start3A_253] : memref<2x800768x32xf32, #tpu.memory_space<hbm>> -> memref<1x800768x32xf32, #tpu.memory_space<hbm>>
      %dma_start3A_255 = tpu.memref_squeeze %dma_start3A_254 : memref<1x800768x32xf32, #tpu.memory_space<hbm>> -> memref<800768x32xf32, #tpu.memory_space<hbm>>
      %dma_start3A_256 = arith.constant 0 : i32
      %dma_start3A_257 = arith.constant 0 : i32
      %dma_start3A_258 = tpu.memref_slice %dma_start3A_255[%dma_start3A_256, %dma_start3A_257] : memref<800768x32xf32, #tpu.memory_space<hbm>> -> memref<800768x32xf32, #tpu.memory_space<hbm>>
      tpu.enqueue_indirect_dma source(%dma_start3A_258 : memref<800768x32xf32, #tpu.memory_space<hbm>>) target(%arg8 : memref<250x32xf32, #tpu.memory_space<vmem>>) offsets(%dma_start3A_251 : memref<250xi32, #tpu.memory_space<vmem>>) semaphore(%arg14 : memref<!tpu.dma_semaphore, #tpu.memory_space<semaphore_mem>>)
      %dma_wait3A_259 = arith.constant 0 : i32
      %dma_wait3A_260 = arith.constant 0 : i32
      %dma_wait3A_261 = arith.constant 0 : i32
      %dma_wait3A_262 = tpu.memref_slice %arg5[%dma_wait3A_259, %dma_wait3A_260, %dma_wait3A_261] : memref<2x50048x32xf32, #tpu.memory_space<hbm>> -> memref<1x250x32xf32, #tpu.memory_space<hbm>>
      %dma_wait3A_263 = tpu.memref_squeeze %dma_wait3A_262 : memref<1x250x32xf32, #tpu.memory_space<hbm>> -> memref<250x32xf32, #tpu.memory_space<hbm>>
      %dma_wait3A_264 = arith.constant 0 : i32
      %dma_wait3A_265 = arith.constant 0 : i32
      %dma_wait3A_266 = tpu.memref_slice %arg5[%dma_wait3A_259, %dma_wait3A_264, %dma_wait3A_265] : memref<2x50048x32xf32, #tpu.memory_space<hbm>> -> memref<1x250x32xf32, #tpu.memory_space<hbm>>
      %dma_wait3A_267 = tpu.memref_squeeze %dma_wait3A_266 : memref<1x250x32xf32, #tpu.memory_space<hbm>> -> memref<250x32xf32, #tpu.memory_space<hbm>>
      tpu.wait_dma2 semaphore(%arg14 : memref<!tpu.dma_semaphore, #tpu.memory_space<semaphore_mem>>) src(%dma_wait3A_267 : memref<250x32xf32, #tpu.memory_space<hbm>>) dst(%arg8 : memref<250x32xf32, #tpu.memory_space<vmem>>)
      %dma_start3A_268 = arith.constant 5 : i32
      %dma_start3A_269 = arith.constant 0 : i32
      %dma_start3A_270 = tpu.memref_slice %arg11[%dma_start3A_268, %dma_start3A_269] : memref<10x250xi32, #tpu.memory_space<vmem>> -> memref<1x250xi32, #tpu.memory_space<vmem>>
      %dma_start3A_271 = tpu.memref_squeeze %dma_start3A_270 : memref<1x250xi32, #tpu.memory_space<vmem>> -> memref<250xi32, #tpu.memory_space<vmem>>
      %dma_start3A_272 = arith.constant 0 : i32
      %dma_start3A_273 = arith.constant 0 : i32
      %dma_start3A_274 = tpu.memref_slice %arg6[%dma_start3A_272, %dma_start3A_273] : memref<50048x32xf32, #tpu.memory_space<vmem_shared>> -> memref<50048x32xf32, #tpu.memory_space<vmem_shared>>
      tpu.enqueue_indirect_dma source(%arg8 : memref<250x32xf32, #tpu.memory_space<vmem>>) target(%dma_start3A_274 : memref<50048x32xf32, #tpu.memory_space<vmem_shared>>) offsets(%dma_start3A_271 : memref<250xi32, #tpu.memory_space<vmem>>) semaphore(%arg16 : memref<!tpu.dma_semaphore, #tpu.memory_space<semaphore_mem>>) {add = true}
      %dma_wait3A_275 = arith.constant 0 : i32
      %dma_wait3A_276 = arith.constant 0 : i32
      %dma_wait3A_277 = tpu.memref_slice %arg6[%dma_wait3A_275, %dma_wait3A_276] : memref<50048x32xf32, #tpu.memory_space<vmem_shared>> -> memref<250x32xf32, #tpu.memory_space<vmem_shared>>
      %dma_wait3A_278 = arith.constant 0 : i32
      %dma_wait3A_279 = arith.constant 0 : i32
      %dma_wait3A_280 = tpu.memref_slice %arg6[%dma_wait3A_278, %dma_wait3A_279] : memref<50048x32xf32, #tpu.memory_space<vmem_shared>> -> memref<250x32xf32, #tpu.memory_space<vmem_shared>>
      tpu.wait_dma2 semaphore(%arg15 : memref<!tpu.dma_semaphore, #tpu.memory_space<semaphore_mem>>) src(%arg7 : memref<250x32xf32, #tpu.memory_space<vmem>>) dst(%dma_wait3A_280 : memref<250x32xf32, #tpu.memory_space<vmem_shared>>)
      %dma_start3A_281 = arith.constant 6 : i32
      %dma_start3A_282 = arith.constant 0 : i32
      %dma_start3A_283 = tpu.memref_slice %arg9[%dma_start3A_281, %dma_start3A_282] : memref<10x250xi32, #tpu.memory_space<vmem>> -> memref<1x250xi32, #tpu.memory_space<vmem>>
      %dma_start3A_284 = tpu.memref_squeeze %dma_start3A_283 : memref<1x250xi32, #tpu.memory_space<vmem>> -> memref<250xi32, #tpu.memory_space<vmem>>
      %dma_start3A_285 = arith.constant 0 : i32
      %dma_start3A_286 = arith.constant 0 : i32
      %dma_start3A_287 = tpu.memref_slice %arg2[%arg0, %dma_start3A_285, %dma_start3A_286] : memref<2x800768x32xf32, #tpu.memory_space<hbm>> -> memref<1x800768x32xf32, #tpu.memory_space<hbm>>
      %dma_start3A_288 = tpu.memref_squeeze %dma_start3A_287 : memref<1x800768x32xf32, #tpu.memory_space<hbm>> -> memref<800768x32xf32, #tpu.memory_space<hbm>>
      %dma_start3A_289 = arith.constant 0 : i32
      %dma_start3A_290 = arith.constant 0 : i32
      %dma_start3A_291 = tpu.memref_slice %dma_start3A_288[%dma_start3A_289, %dma_start3A_290] : memref<800768x32xf32, #tpu.memory_space<hbm>> -> memref<800768x32xf32, #tpu.memory_space<hbm>>
      tpu.enqueue_indirect_dma source(%dma_start3A_291 : memref<800768x32xf32, #tpu.memory_space<hbm>>) target(%arg7 : memref<250x32xf32, #tpu.memory_space<vmem>>) offsets(%dma_start3A_284 : memref<250xi32, #tpu.memory_space<vmem>>) semaphore(%arg13 : memref<!tpu.dma_semaphore, #tpu.memory_space<semaphore_mem>>)
      %dma_wait3A_292 = arith.constant 0 : i32
      %dma_wait3A_293 = arith.constant 0 : i32
      %dma_wait3A_294 = arith.constant 0 : i32
      %dma_wait3A_295 = tpu.memref_slice %arg5[%dma_wait3A_292, %dma_wait3A_293, %dma_wait3A_294] : memref<2x50048x32xf32, #tpu.memory_space<hbm>> -> memref<1x250x32xf32, #tpu.memory_space<hbm>>
      %dma_wait3A_296 = tpu.memref_squeeze %dma_wait3A_295 : memref<1x250x32xf32, #tpu.memory_space<hbm>> -> memref<250x32xf32, #tpu.memory_space<hbm>>
      %dma_wait3A_297 = arith.constant 0 : i32
      %dma_wait3A_298 = arith.constant 0 : i32
      %dma_wait3A_299 = tpu.memref_slice %arg5[%dma_wait3A_292, %dma_wait3A_297, %dma_wait3A_298] : memref<2x50048x32xf32, #tpu.memory_space<hbm>> -> memref<1x250x32xf32, #tpu.memory_space<hbm>>
      %dma_wait3A_300 = tpu.memref_squeeze %dma_wait3A_299 : memref<1x250x32xf32, #tpu.memory_space<hbm>> -> memref<250x32xf32, #tpu.memory_space<hbm>>
      tpu.wait_dma2 semaphore(%arg13 : memref<!tpu.dma_semaphore, #tpu.memory_space<semaphore_mem>>) src(%dma_wait3A_300 : memref<250x32xf32, #tpu.memory_space<hbm>>) dst(%arg7 : memref<250x32xf32, #tpu.memory_space<vmem>>)
      %dma_start3A_301 = arith.constant 6 : i32
      %dma_start3A_302 = arith.constant 0 : i32
      %dma_start3A_303 = tpu.memref_slice %arg11[%dma_start3A_301, %dma_start3A_302] : memref<10x250xi32, #tpu.memory_space<vmem>> -> memref<1x250xi32, #tpu.memory_space<vmem>>
      %dma_start3A_304 = tpu.memref_squeeze %dma_start3A_303 : memref<1x250xi32, #tpu.memory_space<vmem>> -> memref<250xi32, #tpu.memory_space<vmem>>
      %dma_start3A_305 = arith.constant 0 : i32
      %dma_start3A_306 = arith.constant 0 : i32
      %dma_start3A_307 = tpu.memref_slice %arg6[%dma_start3A_305, %dma_start3A_306] : memref<50048x32xf32, #tpu.memory_space<vmem_shared>> -> memref<50048x32xf32, #tpu.memory_space<vmem_shared>>
      tpu.enqueue_indirect_dma source(%arg7 : memref<250x32xf32, #tpu.memory_space<vmem>>) target(%dma_start3A_307 : memref<50048x32xf32, #tpu.memory_space<vmem_shared>>) offsets(%dma_start3A_304 : memref<250xi32, #tpu.memory_space<vmem>>) semaphore(%arg15 : memref<!tpu.dma_semaphore, #tpu.memory_space<semaphore_mem>>) {add = true}
      %dma_wait3A_308 = arith.constant 0 : i32
      %dma_wait3A_309 = arith.constant 0 : i32
      %dma_wait3A_310 = tpu.memref_slice %arg6[%dma_wait3A_308, %dma_wait3A_309] : memref<50048x32xf32, #tpu.memory_space<vmem_shared>> -> memref<250x32xf32, #tpu.memory_space<vmem_shared>>
      %dma_wait3A_311 = arith.constant 0 : i32
      %dma_wait3A_312 = arith.constant 0 : i32
      %dma_wait3A_313 = tpu.memref_slice %arg6[%dma_wait3A_311, %dma_wait3A_312] : memref<50048x32xf32, #tpu.memory_space<vmem_shared>> -> memref<250x32xf32, #tpu.memory_space<vmem_shared>>
      tpu.wait_dma2 semaphore(%arg16 : memref<!tpu.dma_semaphore, #tpu.memory_space<semaphore_mem>>) src(%arg8 : memref<250x32xf32, #tpu.memory_space<vmem>>) dst(%dma_wait3A_313 : memref<250x32xf32, #tpu.memory_space<vmem_shared>>)
      %dma_start3A_314 = arith.constant 7 : i32
      %dma_start3A_315 = arith.constant 0 : i32
      %dma_start3A_316 = tpu.memref_slice %arg9[%dma_start3A_314, %dma_start3A_315] : memref<10x250xi32, #tpu.memory_space<vmem>> -> memref<1x250xi32, #tpu.memory_space<vmem>>
      %dma_start3A_317 = tpu.memref_squeeze %dma_start3A_316 : memref<1x250xi32, #tpu.memory_space<vmem>> -> memref<250xi32, #tpu.memory_space<vmem>>
      %dma_start3A_318 = arith.constant 0 : i32
      %dma_start3A_319 = arith.constant 0 : i32
      %dma_start3A_320 = tpu.memref_slice %arg2[%arg0, %dma_start3A_318, %dma_start3A_319] : memref<2x800768x32xf32, #tpu.memory_space<hbm>> -> memref<1x800768x32xf32, #tpu.memory_space<hbm>>
      %dma_start3A_321 = tpu.memref_squeeze %dma_start3A_320 : memref<1x800768x32xf32, #tpu.memory_space<hbm>> -> memref<800768x32xf32, #tpu.memory_space<hbm>>
      %dma_start3A_322 = arith.constant 0 : i32
      %dma_start3A_323 = arith.constant 0 : i32
      %dma_start3A_324 = tpu.memref_slice %dma_start3A_321[%dma_start3A_322, %dma_start3A_323] : memref<800768x32xf32, #tpu.memory_space<hbm>> -> memref<800768x32xf32, #tpu.memory_space<hbm>>
      tpu.enqueue_indirect_dma source(%dma_start3A_324 : memref<800768x32xf32, #tpu.memory_space<hbm>>) target(%arg8 : memref<250x32xf32, #tpu.memory_space<vmem>>) offsets(%dma_start3A_317 : memref<250xi32, #tpu.memory_space<vmem>>) semaphore(%arg14 : memref<!tpu.dma_semaphore, #tpu.memory_space<semaphore_mem>>)
      %dma_wait3A_325 = arith.constant 0 : i32
      %dma_wait3A_326 = arith.constant 0 : i32
      %dma_wait3A_327 = arith.constant 0 : i32
      %dma_wait3A_328 = tpu.memref_slice %arg5[%dma_wait3A_325, %dma_wait3A_326, %dma_wait3A_327] : memref<2x50048x32xf32, #tpu.memory_space<hbm>> -> memref<1x250x32xf32, #tpu.memory_space<hbm>>
      %dma_wait3A_329 = tpu.memref_squeeze %dma_wait3A_328 : memref<1x250x32xf32, #tpu.memory_space<hbm>> -> memref<250x32xf32, #tpu.memory_space<hbm>>
      %dma_wait3A_330 = arith.constant 0 : i32
      %dma_wait3A_331 = arith.constant 0 : i32
      %dma_wait3A_332 = tpu.memref_slice %arg5[%dma_wait3A_325, %dma_wait3A_330, %dma_wait3A_331] : memref<2x50048x32xf32, #tpu.memory_space<hbm>> -> memref<1x250x32xf32, #tpu.memory_space<hbm>>
      %dma_wait3A_333 = tpu.memref_squeeze %dma_wait3A_332 : memref<1x250x32xf32, #tpu.memory_space<hbm>> -> memref<250x32xf32, #tpu.memory_space<hbm>>
      tpu.wait_dma2 semaphore(%arg14 : memref<!tpu.dma_semaphore, #tpu.memory_space<semaphore_mem>>) src(%dma_wait3A_333 : memref<250x32xf32, #tpu.memory_space<hbm>>) dst(%arg8 : memref<250x32xf32, #tpu.memory_space<vmem>>)
      %dma_start3A_334 = arith.constant 7 : i32
      %dma_start3A_335 = arith.constant 0 : i32
      %dma_start3A_336 = tpu.memref_slice %arg11[%dma_start3A_334, %dma_start3A_335] : memref<10x250xi32, #tpu.memory_space<vmem>> -> memref<1x250xi32, #tpu.memory_space<vmem>>
      %dma_start3A_337 = tpu.memref_squeeze %dma_start3A_336 : memref<1x250xi32, #tpu.memory_space<vmem>> -> memref<250xi32, #tpu.memory_space<vmem>>
      %dma_start3A_338 = arith.constant 0 : i32
      %dma_start3A_339 = arith.constant 0 : i32
      %dma_start3A_340 = tpu.memref_slice %arg6[%dma_start3A_338, %dma_start3A_339] : memref<50048x32xf32, #tpu.memory_space<vmem_shared>> -> memref<50048x32xf32, #tpu.memory_space<vmem_shared>>
      tpu.enqueue_indirect_dma source(%arg8 : memref<250x32xf32, #tpu.memory_space<vmem>>) target(%dma_start3A_340 : memref<50048x32xf32, #tpu.memory_space<vmem_shared>>) offsets(%dma_start3A_337 : memref<250xi32, #tpu.memory_space<vmem>>) semaphore(%arg16 : memref<!tpu.dma_semaphore, #tpu.memory_space<semaphore_mem>>) {add = true}
      %dma_wait3A_341 = arith.constant 0 : i32
      %dma_wait3A_342 = arith.constant 0 : i32
      %dma_wait3A_343 = tpu.memref_slice %arg6[%dma_wait3A_341, %dma_wait3A_342] : memref<50048x32xf32, #tpu.memory_space<vmem_shared>> -> memref<250x32xf32, #tpu.memory_space<vmem_shared>>
      %dma_wait3A_344 = arith.constant 0 : i32
      %dma_wait3A_345 = arith.constant 0 : i32
      %dma_wait3A_346 = tpu.memref_slice %arg6[%dma_wait3A_344, %dma_wait3A_345] : memref<50048x32xf32, #tpu.memory_space<vmem_shared>> -> memref<250x32xf32, #tpu.memory_space<vmem_shared>>
      tpu.wait_dma2 semaphore(%arg15 : memref<!tpu.dma_semaphore, #tpu.memory_space<semaphore_mem>>) src(%arg7 : memref<250x32xf32, #tpu.memory_space<vmem>>) dst(%dma_wait3A_346 : memref<250x32xf32, #tpu.memory_space<vmem_shared>>)
      %dma_start3A_347 = arith.constant 8 : i32
      %dma_start3A_348 = arith.constant 0 : i32
      %dma_start3A_349 = tpu.memref_slice %arg9[%dma_start3A_347, %dma_start3A_348] : memref<10x250xi32, #tpu.memory_space<vmem>> -> memref<1x250xi32, #tpu.memory_space<vmem>>
      %dma_start3A_350 = tpu.memref_squeeze %dma_start3A_349 : memref<1x250xi32, #tpu.memory_space<vmem>> -> memref<250xi32, #tpu.memory_space<vmem>>
      %dma_start3A_351 = arith.constant 0 : i32
      %dma_start3A_352 = arith.constant 0 : i32
      %dma_start3A_353 = tpu.memref_slice %arg2[%arg0, %dma_start3A_351, %dma_start3A_352] : memref<2x800768x32xf32, #tpu.memory_space<hbm>> -> memref<1x800768x32xf32, #tpu.memory_space<hbm>>
      %dma_start3A_354 = tpu.memref_squeeze %dma_start3A_353 : memref<1x800768x32xf32, #tpu.memory_space<hbm>> -> memref<800768x32xf32, #tpu.memory_space<hbm>>
      %dma_start3A_355 = arith.constant 0 : i32
      %dma_start3A_356 = arith.constant 0 : i32
      %dma_start3A_357 = tpu.memref_slice %dma_start3A_354[%dma_start3A_355, %dma_start3A_356] : memref<800768x32xf32, #tpu.memory_space<hbm>> -> memref<800768x32xf32, #tpu.memory_space<hbm>>
      tpu.enqueue_indirect_dma source(%dma_start3A_357 : memref<800768x32xf32, #tpu.memory_space<hbm>>) target(%arg7 : memref<250x32xf32, #tpu.memory_space<vmem>>) offsets(%dma_start3A_350 : memref<250xi32, #tpu.memory_space<vmem>>) semaphore(%arg13 : memref<!tpu.dma_semaphore, #tpu.memory_space<semaphore_mem>>)
      %dma_wait3A_358 = arith.constant 0 : i32
      %dma_wait3A_359 = arith.constant 0 : i32
      %dma_wait3A_360 = arith.constant 0 : i32
      %dma_wait3A_361 = tpu.memref_slice %arg5[%dma_wait3A_358, %dma_wait3A_359, %dma_wait3A_360] : memref<2x50048x32xf32, #tpu.memory_space<hbm>> -> memref<1x250x32xf32, #tpu.memory_space<hbm>>
      %dma_wait3A_362 = tpu.memref_squeeze %dma_wait3A_361 : memref<1x250x32xf32, #tpu.memory_space<hbm>> -> memref<250x32xf32, #tpu.memory_space<hbm>>
      %dma_wait3A_363 = arith.constant 0 : i32
      %dma_wait3A_364 = arith.constant 0 : i32
      %dma_wait3A_365 = tpu.memref_slice %arg5[%dma_wait3A_358, %dma_wait3A_363, %dma_wait3A_364] : memref<2x50048x32xf32, #tpu.memory_space<hbm>> -> memref<1x250x32xf32, #tpu.memory_space<hbm>>
      %dma_wait3A_366 = tpu.memref_squeeze %dma_wait3A_365 : memref<1x250x32xf32, #tpu.memory_space<hbm>> -> memref<250x32xf32, #tpu.memory_space<hbm>>
      tpu.wait_dma2 semaphore(%arg13 : memref<!tpu.dma_semaphore, #tpu.memory_space<semaphore_mem>>) src(%dma_wait3A_366 : memref<250x32xf32, #tpu.memory_space<hbm>>) dst(%arg7 : memref<250x32xf32, #tpu.memory_space<vmem>>)
      %dma_start3A_367 = arith.constant 8 : i32
      %dma_start3A_368 = arith.constant 0 : i32
      %dma_start3A_369 = tpu.memref_slice %arg11[%dma_start3A_367, %dma_start3A_368] : memref<10x250xi32, #tpu.memory_space<vmem>> -> memref<1x250xi32, #tpu.memory_space<vmem>>
      %dma_start3A_370 = tpu.memref_squeeze %dma_start3A_369 : memref<1x250xi32, #tpu.memory_space<vmem>> -> memref<250xi32, #tpu.memory_space<vmem>>
      %dma_start3A_371 = arith.constant 0 : i32
      %dma_start3A_372 = arith.constant 0 : i32
      %dma_start3A_373 = tpu.memref_slice %arg6[%dma_start3A_371, %dma_start3A_372] : memref<50048x32xf32, #tpu.memory_space<vmem_shared>> -> memref<50048x32xf32, #tpu.memory_space<vmem_shared>>
      tpu.enqueue_indirect_dma source(%arg7 : memref<250x32xf32, #tpu.memory_space<vmem>>) target(%dma_start3A_373 : memref<50048x32xf32, #tpu.memory_space<vmem_shared>>) offsets(%dma_start3A_370 : memref<250xi32, #tpu.memory_space<vmem>>) semaphore(%arg15 : memref<!tpu.dma_semaphore, #tpu.memory_space<semaphore_mem>>) {add = true}
      %dma_wait3A_374 = arith.constant 0 : i32
      %dma_wait3A_375 = arith.constant 0 : i32
      %dma_wait3A_376 = tpu.memref_slice %arg6[%dma_wait3A_374, %dma_wait3A_375] : memref<50048x32xf32, #tpu.memory_space<vmem_shared>> -> memref<250x32xf32, #tpu.memory_space<vmem_shared>>
      %dma_wait3A_377 = arith.constant 0 : i32
      %dma_wait3A_378 = arith.constant 0 : i32
      %dma_wait3A_379 = tpu.memref_slice %arg6[%dma_wait3A_377, %dma_wait3A_378] : memref<50048x32xf32, #tpu.memory_space<vmem_shared>> -> memref<250x32xf32, #tpu.memory_space<vmem_shared>>
      tpu.wait_dma2 semaphore(%arg16 : memref<!tpu.dma_semaphore, #tpu.memory_space<semaphore_mem>>) src(%arg8 : memref<250x32xf32, #tpu.memory_space<vmem>>) dst(%dma_wait3A_379 : memref<250x32xf32, #tpu.memory_space<vmem_shared>>)
      %dma_start3A_380 = arith.constant 9 : i32
      %dma_start3A_381 = arith.constant 0 : i32
      %dma_start3A_382 = tpu.memref_slice %arg9[%dma_start3A_380, %dma_start3A_381] : memref<10x250xi32, #tpu.memory_space<vmem>> -> memref<1x250xi32, #tpu.memory_space<vmem>>
      %dma_start3A_383 = tpu.memref_squeeze %dma_start3A_382 : memref<1x250xi32, #tpu.memory_space<vmem>> -> memref<250xi32, #tpu.memory_space<vmem>>
      %dma_start3A_384 = arith.constant 0 : i32
      %dma_start3A_385 = arith.constant 0 : i32
      %dma_start3A_386 = tpu.memref_slice %arg2[%arg0, %dma_start3A_384, %dma_start3A_385] : memref<2x800768x32xf32, #tpu.memory_space<hbm>> -> memref<1x800768x32xf32, #tpu.memory_space<hbm>>
      %dma_start3A_387 = tpu.memref_squeeze %dma_start3A_386 : memref<1x800768x32xf32, #tpu.memory_space<hbm>> -> memref<800768x32xf32, #tpu.memory_space<hbm>>
      %dma_start3A_388 = arith.constant 0 : i32
      %dma_start3A_389 = arith.constant 0 : i32
      %dma_start3A_390 = tpu.memref_slice %dma_start3A_387[%dma_start3A_388, %dma_start3A_389] : memref<800768x32xf32, #tpu.memory_space<hbm>> -> memref<800768x32xf32, #tpu.memory_space<hbm>>
      tpu.enqueue_indirect_dma source(%dma_start3A_390 : memref<800768x32xf32, #tpu.memory_space<hbm>>) target(%arg8 : memref<250x32xf32, #tpu.memory_space<vmem>>) offsets(%dma_start3A_383 : memref<250xi32, #tpu.memory_space<vmem>>) semaphore(%arg14 : memref<!tpu.dma_semaphore, #tpu.memory_space<semaphore_mem>>)
      %dma_wait3A_391 = arith.constant 0 : i32
      %dma_wait3A_392 = arith.constant 0 : i32
      %dma_wait3A_393 = arith.constant 0 : i32
      %dma_wait3A_394 = tpu.memref_slice %arg5[%dma_wait3A_391, %dma_wait3A_392, %dma_wait3A_393] : memref<2x50048x32xf32, #tpu.memory_space<hbm>> -> memref<1x250x32xf32, #tpu.memory_space<hbm>>
      %dma_wait3A_395 = tpu.memref_squeeze %dma_wait3A_394 : memref<1x250x32xf32, #tpu.memory_space<hbm>> -> memref<250x32xf32, #tpu.memory_space<hbm>>
      %dma_wait3A_396 = arith.constant 0 : i32
      %dma_wait3A_397 = arith.constant 0 : i32
      %dma_wait3A_398 = tpu.memref_slice %arg5[%dma_wait3A_391, %dma_wait3A_396, %dma_wait3A_397] : memref<2x50048x32xf32, #tpu.memory_space<hbm>> -> memref<1x250x32xf32, #tpu.memory_space<hbm>>
      %dma_wait3A_399 = tpu.memref_squeeze %dma_wait3A_398 : memref<1x250x32xf32, #tpu.memory_space<hbm>> -> memref<250x32xf32, #tpu.memory_space<hbm>>
      tpu.wait_dma2 semaphore(%arg14 : memref<!tpu.dma_semaphore, #tpu.memory_space<semaphore_mem>>) src(%dma_wait3A_399 : memref<250x32xf32, #tpu.memory_space<hbm>>) dst(%arg8 : memref<250x32xf32, #tpu.memory_space<vmem>>)
      %dma_start3A_400 = arith.constant 9 : i32
      %dma_start3A_401 = arith.constant 0 : i32
      %dma_start3A_402 = tpu.memref_slice %arg11[%dma_start3A_400, %dma_start3A_401] : memref<10x250xi32, #tpu.memory_space<vmem>> -> memref<1x250xi32, #tpu.memory_space<vmem>>
      %dma_start3A_403 = tpu.memref_squeeze %dma_start3A_402 : memref<1x250xi32, #tpu.memory_space<vmem>> -> memref<250xi32, #tpu.memory_space<vmem>>
      %dma_start3A_404 = arith.constant 0 : i32
      %dma_start3A_405 = arith.constant 0 : i32
      %dma_start3A_406 = tpu.memref_slice %arg6[%dma_start3A_404, %dma_start3A_405] : memref<50048x32xf32, #tpu.memory_space<vmem_shared>> -> memref<50048x32xf32, #tpu.memory_space<vmem_shared>>
      tpu.enqueue_indirect_dma source(%arg8 : memref<250x32xf32, #tpu.memory_space<vmem>>) target(%dma_start3A_406 : memref<50048x32xf32, #tpu.memory_space<vmem_shared>>) offsets(%dma_start3A_403 : memref<250xi32, #tpu.memory_space<vmem>>) semaphore(%arg16 : memref<!tpu.dma_semaphore, #tpu.memory_space<semaphore_mem>>) {add = true}
      %dma_wait3A_407 = arith.constant 0 : i32
      %dma_wait3A_408 = arith.constant 0 : i32
      %dma_wait3A_409 = tpu.memref_slice %arg6[%dma_wait3A_407, %dma_wait3A_408] : memref<50048x32xf32, #tpu.memory_space<vmem_shared>> -> memref<250x32xf32, #tpu.memory_space<vmem_shared>>
      %dma_wait3A_410 = arith.constant 0 : i32
      %dma_wait3A_411 = arith.constant 0 : i32
      %dma_wait3A_412 = tpu.memref_slice %arg6[%dma_wait3A_410, %dma_wait3A_411] : memref<50048x32xf32, #tpu.memory_space<vmem_shared>> -> memref<250x32xf32, #tpu.memory_space<vmem_shared>>
      tpu.wait_dma2 semaphore(%arg15 : memref<!tpu.dma_semaphore, #tpu.memory_space<semaphore_mem>>) src(%arg7 : memref<250x32xf32, #tpu.memory_space<vmem>>) dst(%dma_wait3A_412 : memref<250x32xf32, #tpu.memory_space<vmem_shared>>)
      %dma_wait3A_413 = arith.constant 0 : i32
      %dma_wait3A_414 = arith.constant 0 : i32
      %dma_wait3A_415 = tpu.memref_slice %arg3[%dma_wait3A_413, %dma_wait3A_414] : memref<3200x250xi32, #tpu.memory_space<hbm>> -> memref<10x250xi32, #tpu.memory_space<hbm>>
      %dma_wait3A_416 = arith.constant 0 : i32
      %dma_wait3A_417 = arith.constant 0 : i32
      %dma_wait3A_418 = tpu.memref_slice %arg3[%dma_wait3A_416, %dma_wait3A_417] : memref<3200x250xi32, #tpu.memory_space<hbm>> -> memref<10x250xi32, #tpu.memory_space<hbm>>
      tpu.wait_dma2 semaphore(%arg18 : memref<!tpu.dma_semaphore, #tpu.memory_space<semaphore_mem>>) src(%dma_wait3A_418 : memref<10x250xi32, #tpu.memory_space<hbm>>) dst(%arg10 : memref<10x250xi32, #tpu.memory_space<vmem>>)
      %dma_wait3A_419 = arith.constant 0 : i32
      %dma_wait3A_420 = arith.constant 0 : i32
      %dma_wait3A_421 = tpu.memref_slice %arg4[%dma_wait3A_419, %dma_wait3A_420] : memref<3200x250xi32, #tpu.memory_space<hbm>> -> memref<10x250xi32, #tpu.memory_space<hbm>>
      %dma_wait3A_422 = arith.constant 0 : i32
      %dma_wait3A_423 = arith.constant 0 : i32
      %dma_wait3A_424 = tpu.memref_slice %arg4[%dma_wait3A_422, %dma_wait3A_423] : memref<3200x250xi32, #tpu.memory_space<hbm>> -> memref<10x250xi32, #tpu.memory_space<hbm>>
      tpu.wait_dma2 semaphore(%arg18 : memref<!tpu.dma_semaphore, #tpu.memory_space<semaphore_mem>>) src(%dma_wait3A_424 : memref<10x250xi32, #tpu.memory_space<hbm>>) dst(%arg12 : memref<10x250xi32, #tpu.memory_space<vmem>>)
      %dma_start3A_425 = arith.constant 0 : i32
      %dma_start3A_426 = arith.constant 0 : i32
      %dma_start3A_427 = tpu.memref_slice %arg10[%dma_start3A_425, %dma_start3A_426] : memref<10x250xi32, #tpu.memory_space<vmem>> -> memref<1x250xi32, #tpu.memory_space<vmem>>
      %dma_start3A_428 = tpu.memref_squeeze %dma_start3A_427 : memref<1x250xi32, #tpu.memory_space<vmem>> -> memref<250xi32, #tpu.memory_space<vmem>>
      %dma_start3A_429 = arith.constant 0 : i32
      %dma_start3A_430 = arith.constant 0 : i32
      %dma_start3A_431 = tpu.memref_slice %arg2[%arg0, %dma_start3A_429, %dma_start3A_430] : memref<2x800768x32xf32, #tpu.memory_space<hbm>> -> memref<1x800768x32xf32, #tpu.memory_space<hbm>>
      %dma_start3A_432 = tpu.memref_squeeze %dma_start3A_431 : memref<1x800768x32xf32, #tpu.memory_space<hbm>> -> memref<800768x32xf32, #tpu.memory_space<hbm>>
      %dma_start3A_433 = arith.constant 0 : i32
      %dma_start3A_434 = arith.constant 0 : i32
      %dma_start3A_435 = tpu.memref_slice %dma_start3A_432[%dma_start3A_433, %dma_start3A_434] : memref<800768x32xf32, #tpu.memory_space<hbm>> -> memref<800768x32xf32, #tpu.memory_space<hbm>>
      tpu.enqueue_indirect_dma source(%dma_start3A_435 : memref<800768x32xf32, #tpu.memory_space<hbm>>) target(%arg7 : memref<250x32xf32, #tpu.memory_space<vmem>>) offsets(%dma_start3A_428 : memref<250xi32, #tpu.memory_space<vmem>>) semaphore(%arg13 : memref<!tpu.dma_semaphore, #tpu.memory_space<semaphore_mem>>)
      %lt3A = arith.constant 9 : i32
      %lt3A_436 = arith.cmpi slt, %scan3A_77, %lt3A : i32
      %mul3A_437 = arith.constant 2 : i32
      %mul3A_438 = arith.muli %mul3A_437, %scan3A_77 : i32
      %add3A_439 = arith.constant 2 : i32
      %add3A_440 = arith.addi %mul3A_438, %add3A_439 : i32
      %mul3A_441 = arith.constant 10 : i32
      %mul3A_442 = arith.muli %add3A_440, %mul3A_441 : i32
      %add3A_443 = arith.addi %mul3A_2, %mul3A_442 : i32
      %select_n3A = arith.select %lt3A_436, %add3A_443, %mul3A_2 : i32
      %dma_start3A_444 = arith.constant 0 : i32
      %dma_start3A_445 = tpu.memref_slice %arg3[%select_n3A, %dma_start3A_444] : memref<3200x250xi32, #tpu.memory_space<hbm>> -> memref<10x250xi32, #tpu.memory_space<hbm>>
      %dma_start3A_446 = arith.constant 0 : i32
      %dma_start3A_447 = tpu.memref_slice %arg3[%select_n3A, %dma_start3A_446] : memref<3200x250xi32, #tpu.memory_space<hbm>> -> memref<10x250xi32, #tpu.memory_space<hbm>>
      tpu.enqueue_dma source(%dma_start3A_447 : memref<10x250xi32, #tpu.memory_space<hbm>>) target(%arg9 : memref<10x250xi32, #tpu.memory_space<vmem>>) target_semaphore(%arg17 : memref<!tpu.dma_semaphore, #tpu.memory_space<semaphore_mem>>)
      %dma_start3A_448 = arith.constant 0 : i32
      %dma_start3A_449 = tpu.memref_slice %arg4[%select_n3A, %dma_start3A_448] : memref<3200x250xi32, #tpu.memory_space<hbm>> -> memref<10x250xi32, #tpu.memory_space<hbm>>
      %dma_start3A_450 = arith.constant 0 : i32
      %dma_start3A_451 = tpu.memref_slice %arg4[%select_n3A, %dma_start3A_450] : memref<3200x250xi32, #tpu.memory_space<hbm>> -> memref<10x250xi32, #tpu.memory_space<hbm>>
      tpu.enqueue_dma source(%dma_start3A_451 : memref<10x250xi32, #tpu.memory_space<hbm>>) target(%arg11 : memref<10x250xi32, #tpu.memory_space<vmem>>) target_semaphore(%arg17 : memref<!tpu.dma_semaphore, #tpu.memory_space<semaphore_mem>>)
      %dma_wait3A_452 = arith.constant 0 : i32
      %dma_wait3A_453 = arith.constant 0 : i32
      %dma_wait3A_454 = arith.constant 0 : i32
      %dma_wait3A_455 = tpu.memref_slice %arg5[%dma_wait3A_452, %dma_wait3A_453, %dma_wait3A_454] : memref<2x50048x32xf32, #tpu.memory_space<hbm>> -> memref<1x250x32xf32, #tpu.memory_space<hbm>>
      %dma_wait3A_456 = tpu.memref_squeeze %dma_wait3A_455 : memref<1x250x32xf32, #tpu.memory_space<hbm>> -> memref<250x32xf32, #tpu.memory_space<hbm>>
      %dma_wait3A_457 = arith.constant 0 : i32
      %dma_wait3A_458 = arith.constant 0 : i32
      %dma_wait3A_459 = tpu.memref_slice %arg5[%dma_wait3A_452, %dma_wait3A_457, %dma_wait3A_458] : memref<2x50048x32xf32, #tpu.memory_space<hbm>> -> memref<1x250x32xf32, #tpu.memory_space<hbm>>
      %dma_wait3A_460 = tpu.memref_squeeze %dma_wait3A_459 : memref<1x250x32xf32, #tpu.memory_space<hbm>> -> memref<250x32xf32, #tpu.memory_space<hbm>>
      tpu.wait_dma2 semaphore(%arg13 : memref<!tpu.dma_semaphore, #tpu.memory_space<semaphore_mem>>) src(%dma_wait3A_460 : memref<250x32xf32, #tpu.memory_space<hbm>>) dst(%arg7 : memref<250x32xf32, #tpu.memory_space<vmem>>)
      %dma_start3A_461 = arith.constant 0 : i32
      %dma_start3A_462 = arith.constant 0 : i32
      %dma_start3A_463 = tpu.memref_slice %arg12[%dma_start3A_461, %dma_start3A_462] : memref<10x250xi32, #tpu.memory_space<vmem>> -> memref<1x250xi32, #tpu.memory_space<vmem>>
      %dma_start3A_464 = tpu.memref_squeeze %dma_start3A_463 : memref<1x250xi32, #tpu.memory_space<vmem>> -> memref<250xi32, #tpu.memory_space<vmem>>
      %dma_start3A_465 = arith.constant 0 : i32
      %dma_start3A_466 = arith.constant 0 : i32
      %dma_start3A_467 = tpu.memref_slice %arg6[%dma_start3A_465, %dma_start3A_466] : memref<50048x32xf32, #tpu.memory_space<vmem_shared>> -> memref<50048x32xf32, #tpu.memory_space<vmem_shared>>
      tpu.enqueue_indirect_dma source(%arg7 : memref<250x32xf32, #tpu.memory_space<vmem>>) target(%dma_start3A_467 : memref<50048x32xf32, #tpu.memory_space<vmem_shared>>) offsets(%dma_start3A_464 : memref<250xi32, #tpu.memory_space<vmem>>) semaphore(%arg15 : memref<!tpu.dma_semaphore, #tpu.memory_space<semaphore_mem>>) {add = true}
      %dma_wait3A_468 = arith.constant 0 : i32
      %dma_wait3A_469 = arith.constant 0 : i32
      %dma_wait3A_470 = tpu.memref_slice %arg6[%dma_wait3A_468, %dma_wait3A_469] : memref<50048x32xf32, #tpu.memory_space<vmem_shared>> -> memref<250x32xf32, #tpu.memory_space<vmem_shared>>
      %dma_wait3A_471 = arith.constant 0 : i32
      %dma_wait3A_472 = arith.constant 0 : i32
      %dma_wait3A_473 = tpu.memref_slice %arg6[%dma_wait3A_471, %dma_wait3A_472] : memref<50048x32xf32, #tpu.memory_space<vmem_shared>> -> memref<250x32xf32, #tpu.memory_space<vmem_shared>>
      tpu.wait_dma2 semaphore(%arg16 : memref<!tpu.dma_semaphore, #tpu.memory_space<semaphore_mem>>) src(%arg8 : memref<250x32xf32, #tpu.memory_space<vmem>>) dst(%dma_wait3A_473 : memref<250x32xf32, #tpu.memory_space<vmem_shared>>)
      %dma_start3A_474 = arith.constant 1 : i32
      %dma_start3A_475 = arith.constant 0 : i32
      %dma_start3A_476 = tpu.memref_slice %arg10[%dma_start3A_474, %dma_start3A_475] : memref<10x250xi32, #tpu.memory_space<vmem>> -> memref<1x250xi32, #tpu.memory_space<vmem>>
      %dma_start3A_477 = tpu.memref_squeeze %dma_start3A_476 : memref<1x250xi32, #tpu.memory_space<vmem>> -> memref<250xi32, #tpu.memory_space<vmem>>
      %dma_start3A_478 = arith.constant 0 : i32
      %dma_start3A_479 = arith.constant 0 : i32
      %dma_start3A_480 = tpu.memref_slice %arg2[%arg0, %dma_start3A_478, %dma_start3A_479] : memref<2x800768x32xf32, #tpu.memory_space<hbm>> -> memref<1x800768x32xf32, #tpu.memory_space<hbm>>
      %dma_start3A_481 = tpu.memref_squeeze %dma_start3A_480 : memref<1x800768x32xf32, #tpu.memory_space<hbm>> -> memref<800768x32xf32, #tpu.memory_space<hbm>>
      %dma_start3A_482 = arith.constant 0 : i32
      %dma_start3A_483 = arith.constant 0 : i32
      %dma_start3A_484 = tpu.memref_slice %dma_start3A_481[%dma_start3A_482, %dma_start3A_483] : memref<800768x32xf32, #tpu.memory_space<hbm>> -> memref<800768x32xf32, #tpu.memory_space<hbm>>
      tpu.enqueue_indirect_dma source(%dma_start3A_484 : memref<800768x32xf32, #tpu.memory_space<hbm>>) target(%arg8 : memref<250x32xf32, #tpu.memory_space<vmem>>) offsets(%dma_start3A_477 : memref<250xi32, #tpu.memory_space<vmem>>) semaphore(%arg14 : memref<!tpu.dma_semaphore, #tpu.memory_space<semaphore_mem>>)
      %dma_wait3A_485 = arith.constant 0 : i32
      %dma_wait3A_486 = arith.constant 0 : i32
      %dma_wait3A_487 = arith.constant 0 : i32
      %dma_wait3A_488 = tpu.memref_slice %arg5[%dma_wait3A_485, %dma_wait3A_486, %dma_wait3A_487] : memref<2x50048x32xf32, #tpu.memory_space<hbm>> -> memref<1x250x32xf32, #tpu.memory_space<hbm>>
      %dma_wait3A_489 = tpu.memref_squeeze %dma_wait3A_488 : memref<1x250x32xf32, #tpu.memory_space<hbm>> -> memref<250x32xf32, #tpu.memory_space<hbm>>
      %dma_wait3A_490 = arith.constant 0 : i32
      %dma_wait3A_491 = arith.constant 0 : i32
      %dma_wait3A_492 = tpu.memref_slice %arg5[%dma_wait3A_485, %dma_wait3A_490, %dma_wait3A_491] : memref<2x50048x32xf32, #tpu.memory_space<hbm>> -> memref<1x250x32xf32, #tpu.memory_space<hbm>>
      %dma_wait3A_493 = tpu.memref_squeeze %dma_wait3A_492 : memref<1x250x32xf32, #tpu.memory_space<hbm>> -> memref<250x32xf32, #tpu.memory_space<hbm>>
      tpu.wait_dma2 semaphore(%arg14 : memref<!tpu.dma_semaphore, #tpu.memory_space<semaphore_mem>>) src(%dma_wait3A_493 : memref<250x32xf32, #tpu.memory_space<hbm>>) dst(%arg8 : memref<250x32xf32, #tpu.memory_space<vmem>>)
      %dma_start3A_494 = arith.constant 1 : i32
      %dma_start3A_495 = arith.constant 0 : i32
      %dma_start3A_496 = tpu.memref_slice %arg12[%dma_start3A_494, %dma_start3A_495] : memref<10x250xi32, #tpu.memory_space<vmem>> -> memref<1x250xi32, #tpu.memory_space<vmem>>
      %dma_start3A_497 = tpu.memref_squeeze %dma_start3A_496 : memref<1x250xi32, #tpu.memory_space<vmem>> -> memref<250xi32, #tpu.memory_space<vmem>>
      %dma_start3A_498 = arith.constant 0 : i32
      %dma_start3A_499 = arith.constant 0 : i32
      %dma_start3A_500 = tpu.memref_slice %arg6[%dma_start3A_498, %dma_start3A_499] : memref<50048x32xf32, #tpu.memory_space<vmem_shared>> -> memref<50048x32xf32, #tpu.memory_space<vmem_shared>>
      tpu.enqueue_indirect_dma source(%arg8 : memref<250x32xf32, #tpu.memory_space<vmem>>) target(%dma_start3A_500 : memref<50048x32xf32, #tpu.memory_space<vmem_shared>>) offsets(%dma_start3A_497 : memref<250xi32, #tpu.memory_space<vmem>>) semaphore(%arg16 : memref<!tpu.dma_semaphore, #tpu.memory_space<semaphore_mem>>) {add = true}
      %dma_wait3A_501 = arith.constant 0 : i32
      %dma_wait3A_502 = arith.constant 0 : i32
      %dma_wait3A_503 = tpu.memref_slice %arg6[%dma_wait3A_501, %dma_wait3A_502] : memref<50048x32xf32, #tpu.memory_space<vmem_shared>> -> memref<250x32xf32, #tpu.memory_space<vmem_shared>>
      %dma_wait3A_504 = arith.constant 0 : i32
      %dma_wait3A_505 = arith.constant 0 : i32
      %dma_wait3A_506 = tpu.memref_slice %arg6[%dma_wait3A_504, %dma_wait3A_505] : memref<50048x32xf32, #tpu.memory_space<vmem_shared>> -> memref<250x32xf32, #tpu.memory_space<vmem_shared>>
      tpu.wait_dma2 semaphore(%arg15 : memref<!tpu.dma_semaphore, #tpu.memory_space<semaphore_mem>>) src(%arg7 : memref<250x32xf32, #tpu.memory_space<vmem>>) dst(%dma_wait3A_506 : memref<250x32xf32, #tpu.memory_space<vmem_shared>>)
      %dma_start3A_507 = arith.constant 2 : i32
      %dma_start3A_508 = arith.constant 0 : i32
      %dma_start3A_509 = tpu.memref_slice %arg10[%dma_start3A_507, %dma_start3A_508] : memref<10x250xi32, #tpu.memory_space<vmem>> -> memref<1x250xi32, #tpu.memory_space<vmem>>
      %dma_start3A_510 = tpu.memref_squeeze %dma_start3A_509 : memref<1x250xi32, #tpu.memory_space<vmem>> -> memref<250xi32, #tpu.memory_space<vmem>>
      %dma_start3A_511 = arith.constant 0 : i32
      %dma_start3A_512 = arith.constant 0 : i32
      %dma_start3A_513 = tpu.memref_slice %arg2[%arg0, %dma_start3A_511, %dma_start3A_512] : memref<2x800768x32xf32, #tpu.memory_space<hbm>> -> memref<1x800768x32xf32, #tpu.memory_space<hbm>>
      %dma_start3A_514 = tpu.memref_squeeze %dma_start3A_513 : memref<1x800768x32xf32, #tpu.memory_space<hbm>> -> memref<800768x32xf32, #tpu.memory_space<hbm>>
      %dma_start3A_515 = arith.constant 0 : i32
      %dma_start3A_516 = arith.constant 0 : i32
      %dma_start3A_517 = tpu.memref_slice %dma_start3A_514[%dma_start3A_515, %dma_start3A_516] : memref<800768x32xf32, #tpu.memory_space<hbm>> -> memref<800768x32xf32, #tpu.memory_space<hbm>>
      tpu.enqueue_indirect_dma source(%dma_start3A_517 : memref<800768x32xf32, #tpu.memory_space<hbm>>) target(%arg7 : memref<250x32xf32, #tpu.memory_space<vmem>>) offsets(%dma_start3A_510 : memref<250xi32, #tpu.memory_space<vmem>>) semaphore(%arg13 : memref<!tpu.dma_semaphore, #tpu.memory_space<semaphore_mem>>)
      %dma_wait3A_518 = arith.constant 0 : i32
      %dma_wait3A_519 = arith.constant 0 : i32
      %dma_wait3A_520 = arith.constant 0 : i32
      %dma_wait3A_521 = tpu.memref_slice %arg5[%dma_wait3A_518, %dma_wait3A_519, %dma_wait3A_520] : memref<2x50048x32xf32, #tpu.memory_space<hbm>> -> memref<1x250x32xf32, #tpu.memory_space<hbm>>
      %dma_wait3A_522 = tpu.memref_squeeze %dma_wait3A_521 : memref<1x250x32xf32, #tpu.memory_space<hbm>> -> memref<250x32xf32, #tpu.memory_space<hbm>>
      %dma_wait3A_523 = arith.constant 0 : i32
      %dma_wait3A_524 = arith.constant 0 : i32
      %dma_wait3A_525 = tpu.memref_slice %arg5[%dma_wait3A_518, %dma_wait3A_523, %dma_wait3A_524] : memref<2x50048x32xf32, #tpu.memory_space<hbm>> -> memref<1x250x32xf32, #tpu.memory_space<hbm>>
      %dma_wait3A_526 = tpu.memref_squeeze %dma_wait3A_525 : memref<1x250x32xf32, #tpu.memory_space<hbm>> -> memref<250x32xf32, #tpu.memory_space<hbm>>
      tpu.wait_dma2 semaphore(%arg13 : memref<!tpu.dma_semaphore, #tpu.memory_space<semaphore_mem>>) src(%dma_wait3A_526 : memref<250x32xf32, #tpu.memory_space<hbm>>) dst(%arg7 : memref<250x32xf32, #tpu.memory_space<vmem>>)
      %dma_start3A_527 = arith.constant 2 : i32
      %dma_start3A_528 = arith.constant 0 : i32
      %dma_start3A_529 = tpu.memref_slice %arg12[%dma_start3A_527, %dma_start3A_528] : memref<10x250xi32, #tpu.memory_space<vmem>> -> memref<1x250xi32, #tpu.memory_space<vmem>>
      %dma_start3A_530 = tpu.memref_squeeze %dma_start3A_529 : memref<1x250xi32, #tpu.memory_space<vmem>> -> memref<250xi32, #tpu.memory_space<vmem>>
      %dma_start3A_531 = arith.constant 0 : i32
      %dma_start3A_532 = arith.constant 0 : i32
      %dma_start3A_533 = tpu.memref_slice %arg6[%dma_start3A_531, %dma_start3A_532] : memref<50048x32xf32, #tpu.memory_space<vmem_shared>> -> memref<50048x32xf32, #tpu.memory_space<vmem_shared>>
      tpu.enqueue_indirect_dma source(%arg7 : memref<250x32xf32, #tpu.memory_space<vmem>>) target(%dma_start3A_533 : memref<50048x32xf32, #tpu.memory_space<vmem_shared>>) offsets(%dma_start3A_530 : memref<250xi32, #tpu.memory_space<vmem>>) semaphore(%arg15 : memref<!tpu.dma_semaphore, #tpu.memory_space<semaphore_mem>>) {add = true}
      %dma_wait3A_534 = arith.constant 0 : i32
      %dma_wait3A_535 = arith.constant 0 : i32
      %dma_wait3A_536 = tpu.memref_slice %arg6[%dma_wait3A_534, %dma_wait3A_535] : memref<50048x32xf32, #tpu.memory_space<vmem_shared>> -> memref<250x32xf32, #tpu.memory_space<vmem_shared>>
      %dma_wait3A_537 = arith.constant 0 : i32
      %dma_wait3A_538 = arith.constant 0 : i32
      %dma_wait3A_539 = tpu.memref_slice %arg6[%dma_wait3A_537, %dma_wait3A_538] : memref<50048x32xf32, #tpu.memory_space<vmem_shared>> -> memref<250x32xf32, #tpu.memory_space<vmem_shared>>
      tpu.wait_dma2 semaphore(%arg16 : memref<!tpu.dma_semaphore, #tpu.memory_space<semaphore_mem>>) src(%arg8 : memref<250x32xf32, #tpu.memory_space<vmem>>) dst(%dma_wait3A_539 : memref<250x32xf32, #tpu.memory_space<vmem_shared>>)
      %dma_start3A_540 = arith.constant 3 : i32
      %dma_start3A_541 = arith.constant 0 : i32
      %dma_start3A_542 = tpu.memref_slice %arg10[%dma_start3A_540, %dma_start3A_541] : memref<10x250xi32, #tpu.memory_space<vmem>> -> memref<1x250xi32, #tpu.memory_space<vmem>>
      %dma_start3A_543 = tpu.memref_squeeze %dma_start3A_542 : memref<1x250xi32, #tpu.memory_space<vmem>> -> memref<250xi32, #tpu.memory_space<vmem>>
      %dma_start3A_544 = arith.constant 0 : i32
      %dma_start3A_545 = arith.constant 0 : i32
      %dma_start3A_546 = tpu.memref_slice %arg2[%arg0, %dma_start3A_544, %dma_start3A_545] : memref<2x800768x32xf32, #tpu.memory_space<hbm>> -> memref<1x800768x32xf32, #tpu.memory_space<hbm>>
      %dma_start3A_547 = tpu.memref_squeeze %dma_start3A_546 : memref<1x800768x32xf32, #tpu.memory_space<hbm>> -> memref<800768x32xf32, #tpu.memory_space<hbm>>
      %dma_start3A_548 = arith.constant 0 : i32
      %dma_start3A_549 = arith.constant 0 : i32
      %dma_start3A_550 = tpu.memref_slice %dma_start3A_547[%dma_start3A_548, %dma_start3A_549] : memref<800768x32xf32, #tpu.memory_space<hbm>> -> memref<800768x32xf32, #tpu.memory_space<hbm>>
      tpu.enqueue_indirect_dma source(%dma_start3A_550 : memref<800768x32xf32, #tpu.memory_space<hbm>>) target(%arg8 : memref<250x32xf32, #tpu.memory_space<vmem>>) offsets(%dma_start3A_543 : memref<250xi32, #tpu.memory_space<vmem>>) semaphore(%arg14 : memref<!tpu.dma_semaphore, #tpu.memory_space<semaphore_mem>>)
      %dma_wait3A_551 = arith.constant 0 : i32
      %dma_wait3A_552 = arith.constant 0 : i32
      %dma_wait3A_553 = arith.constant 0 : i32
      %dma_wait3A_554 = tpu.memref_slice %arg5[%dma_wait3A_551, %dma_wait3A_552, %dma_wait3A_553] : memref<2x50048x32xf32, #tpu.memory_space<hbm>> -> memref<1x250x32xf32, #tpu.memory_space<hbm>>
      %dma_wait3A_555 = tpu.memref_squeeze %dma_wait3A_554 : memref<1x250x32xf32, #tpu.memory_space<hbm>> -> memref<250x32xf32, #tpu.memory_space<hbm>>
      %dma_wait3A_556 = arith.constant 0 : i32
      %dma_wait3A_557 = arith.constant 0 : i32
      %dma_wait3A_558 = tpu.memref_slice %arg5[%dma_wait3A_551, %dma_wait3A_556, %dma_wait3A_557] : memref<2x50048x32xf32, #tpu.memory_space<hbm>> -> memref<1x250x32xf32, #tpu.memory_space<hbm>>
      %dma_wait3A_559 = tpu.memref_squeeze %dma_wait3A_558 : memref<1x250x32xf32, #tpu.memory_space<hbm>> -> memref<250x32xf32, #tpu.memory_space<hbm>>
      tpu.wait_dma2 semaphore(%arg14 : memref<!tpu.dma_semaphore, #tpu.memory_space<semaphore_mem>>) src(%dma_wait3A_559 : memref<250x32xf32, #tpu.memory_space<hbm>>) dst(%arg8 : memref<250x32xf32, #tpu.memory_space<vmem>>)
      %dma_start3A_560 = arith.constant 3 : i32
      %dma_start3A_561 = arith.constant 0 : i32
      %dma_start3A_562 = tpu.memref_slice %arg12[%dma_start3A_560, %dma_start3A_561] : memref<10x250xi32, #tpu.memory_space<vmem>> -> memref<1x250xi32, #tpu.memory_space<vmem>>
      %dma_start3A_563 = tpu.memref_squeeze %dma_start3A_562 : memref<1x250xi32, #tpu.memory_space<vmem>> -> memref<250xi32, #tpu.memory_space<vmem>>
      %dma_start3A_564 = arith.constant 0 : i32
      %dma_start3A_565 = arith.constant 0 : i32
      %dma_start3A_566 = tpu.memref_slice %arg6[%dma_start3A_564, %dma_start3A_565] : memref<50048x32xf32, #tpu.memory_space<vmem_shared>> -> memref<50048x32xf32, #tpu.memory_space<vmem_shared>>
      tpu.enqueue_indirect_dma source(%arg8 : memref<250x32xf32, #tpu.memory_space<vmem>>) target(%dma_start3A_566 : memref<50048x32xf32, #tpu.memory_space<vmem_shared>>) offsets(%dma_start3A_563 : memref<250xi32, #tpu.memory_space<vmem>>) semaphore(%arg16 : memref<!tpu.dma_semaphore, #tpu.memory_space<semaphore_mem>>) {add = true}
      %dma_wait3A_567 = arith.constant 0 : i32
      %dma_wait3A_568 = arith.constant 0 : i32
      %dma_wait3A_569 = tpu.memref_slice %arg6[%dma_wait3A_567, %dma_wait3A_568] : memref<50048x32xf32, #tpu.memory_space<vmem_shared>> -> memref<250x32xf32, #tpu.memory_space<vmem_shared>>
      %dma_wait3A_570 = arith.constant 0 : i32
      %dma_wait3A_571 = arith.constant 0 : i32
      %dma_wait3A_572 = tpu.memref_slice %arg6[%dma_wait3A_570, %dma_wait3A_571] : memref<50048x32xf32, #tpu.memory_space<vmem_shared>> -> memref<250x32xf32, #tpu.memory_space<vmem_shared>>
      tpu.wait_dma2 semaphore(%arg15 : memref<!tpu.dma_semaphore, #tpu.memory_space<semaphore_mem>>) src(%arg7 : memref<250x32xf32, #tpu.memory_space<vmem>>) dst(%dma_wait3A_572 : memref<250x32xf32, #tpu.memory_space<vmem_shared>>)
      %dma_start3A_573 = arith.constant 4 : i32
      %dma_start3A_574 = arith.constant 0 : i32
      %dma_start3A_575 = tpu.memref_slice %arg10[%dma_start3A_573, %dma_start3A_574] : memref<10x250xi32, #tpu.memory_space<vmem>> -> memref<1x250xi32, #tpu.memory_space<vmem>>
      %dma_start3A_576 = tpu.memref_squeeze %dma_start3A_575 : memref<1x250xi32, #tpu.memory_space<vmem>> -> memref<250xi32, #tpu.memory_space<vmem>>
      %dma_start3A_577 = arith.constant 0 : i32
      %dma_start3A_578 = arith.constant 0 : i32
      %dma_start3A_579 = tpu.memref_slice %arg2[%arg0, %dma_start3A_577, %dma_start3A_578] : memref<2x800768x32xf32, #tpu.memory_space<hbm>> -> memref<1x800768x32xf32, #tpu.memory_space<hbm>>
      %dma_start3A_580 = tpu.memref_squeeze %dma_start3A_579 : memref<1x800768x32xf32, #tpu.memory_space<hbm>> -> memref<800768x32xf32, #tpu.memory_space<hbm>>
      %dma_start3A_581 = arith.constant 0 : i32
      %dma_start3A_582 = arith.constant 0 : i32
      %dma_start3A_583 = tpu.memref_slice %dma_start3A_580[%dma_start3A_581, %dma_start3A_582] : memref<800768x32xf32, #tpu.memory_space<hbm>> -> memref<800768x32xf32, #tpu.memory_space<hbm>>
      tpu.enqueue_indirect_dma source(%dma_start3A_583 : memref<800768x32xf32, #tpu.memory_space<hbm>>) target(%arg7 : memref<250x32xf32, #tpu.memory_space<vmem>>) offsets(%dma_start3A_576 : memref<250xi32, #tpu.memory_space<vmem>>) semaphore(%arg13 : memref<!tpu.dma_semaphore, #tpu.memory_space<semaphore_mem>>)
      %dma_wait3A_584 = arith.constant 0 : i32
      %dma_wait3A_585 = arith.constant 0 : i32
      %dma_wait3A_586 = arith.constant 0 : i32
      %dma_wait3A_587 = tpu.memref_slice %arg5[%dma_wait3A_584, %dma_wait3A_585, %dma_wait3A_586] : memref<2x50048x32xf32, #tpu.memory_space<hbm>> -> memref<1x250x32xf32, #tpu.memory_space<hbm>>
      %dma_wait3A_588 = tpu.memref_squeeze %dma_wait3A_587 : memref<1x250x32xf32, #tpu.memory_space<hbm>> -> memref<250x32xf32, #tpu.memory_space<hbm>>
      %dma_wait3A_589 = arith.constant 0 : i32
      %dma_wait3A_590 = arith.constant 0 : i32
      %dma_wait3A_591 = tpu.memref_slice %arg5[%dma_wait3A_584, %dma_wait3A_589, %dma_wait3A_590] : memref<2x50048x32xf32, #tpu.memory_space<hbm>> -> memref<1x250x32xf32, #tpu.memory_space<hbm>>
      %dma_wait3A_592 = tpu.memref_squeeze %dma_wait3A_591 : memref<1x250x32xf32, #tpu.memory_space<hbm>> -> memref<250x32xf32, #tpu.memory_space<hbm>>
      tpu.wait_dma2 semaphore(%arg13 : memref<!tpu.dma_semaphore, #tpu.memory_space<semaphore_mem>>) src(%dma_wait3A_592 : memref<250x32xf32, #tpu.memory_space<hbm>>) dst(%arg7 : memref<250x32xf32, #tpu.memory_space<vmem>>)
      %dma_start3A_593 = arith.constant 4 : i32
      %dma_start3A_594 = arith.constant 0 : i32
      %dma_start3A_595 = tpu.memref_slice %arg12[%dma_start3A_593, %dma_start3A_594] : memref<10x250xi32, #tpu.memory_space<vmem>> -> memref<1x250xi32, #tpu.memory_space<vmem>>
      %dma_start3A_596 = tpu.memref_squeeze %dma_start3A_595 : memref<1x250xi32, #tpu.memory_space<vmem>> -> memref<250xi32, #tpu.memory_space<vmem>>
      %dma_start3A_597 = arith.constant 0 : i32
      %dma_start3A_598 = arith.constant 0 : i32
      %dma_start3A_599 = tpu.memref_slice %arg6[%dma_start3A_597, %dma_start3A_598] : memref<50048x32xf32, #tpu.memory_space<vmem_shared>> -> memref<50048x32xf32, #tpu.memory_space<vmem_shared>>
      tpu.enqueue_indirect_dma source(%arg7 : memref<250x32xf32, #tpu.memory_space<vmem>>) target(%dma_start3A_599 : memref<50048x32xf32, #tpu.memory_space<vmem_shared>>) offsets(%dma_start3A_596 : memref<250xi32, #tpu.memory_space<vmem>>) semaphore(%arg15 : memref<!tpu.dma_semaphore, #tpu.memory_space<semaphore_mem>>) {add = true}
      %dma_wait3A_600 = arith.constant 0 : i32
      %dma_wait3A_601 = arith.constant 0 : i32
      %dma_wait3A_602 = tpu.memref_slice %arg6[%dma_wait3A_600, %dma_wait3A_601] : memref<50048x32xf32, #tpu.memory_space<vmem_shared>> -> memref<250x32xf32, #tpu.memory_space<vmem_shared>>
      %dma_wait3A_603 = arith.constant 0 : i32
      %dma_wait3A_604 = arith.constant 0 : i32
      %dma_wait3A_605 = tpu.memref_slice %arg6[%dma_wait3A_603, %dma_wait3A_604] : memref<50048x32xf32, #tpu.memory_space<vmem_shared>> -> memref<250x32xf32, #tpu.memory_space<vmem_shared>>
      tpu.wait_dma2 semaphore(%arg16 : memref<!tpu.dma_semaphore, #tpu.memory_space<semaphore_mem>>) src(%arg8 : memref<250x32xf32, #tpu.memory_space<vmem>>) dst(%dma_wait3A_605 : memref<250x32xf32, #tpu.memory_space<vmem_shared>>)
      %dma_start3A_606 = arith.constant 5 : i32
      %dma_start3A_607 = arith.constant 0 : i32
      %dma_start3A_608 = tpu.memref_slice %arg10[%dma_start3A_606, %dma_start3A_607] : memref<10x250xi32, #tpu.memory_space<vmem>> -> memref<1x250xi32, #tpu.memory_space<vmem>>
      %dma_start3A_609 = tpu.memref_squeeze %dma_start3A_608 : memref<1x250xi32, #tpu.memory_space<vmem>> -> memref<250xi32, #tpu.memory_space<vmem>>
      %dma_start3A_610 = arith.constant 0 : i32
      %dma_start3A_611 = arith.constant 0 : i32
      %dma_start3A_612 = tpu.memref_slice %arg2[%arg0, %dma_start3A_610, %dma_start3A_611] : memref<2x800768x32xf32, #tpu.memory_space<hbm>> -> memref<1x800768x32xf32, #tpu.memory_space<hbm>>
      %dma_start3A_613 = tpu.memref_squeeze %dma_start3A_612 : memref<1x800768x32xf32, #tpu.memory_space<hbm>> -> memref<800768x32xf32, #tpu.memory_space<hbm>>
      %dma_start3A_614 = arith.constant 0 : i32
      %dma_start3A_615 = arith.constant 0 : i32
      %dma_start3A_616 = tpu.memref_slice %dma_start3A_613[%dma_start3A_614, %dma_start3A_615] : memref<800768x32xf32, #tpu.memory_space<hbm>> -> memref<800768x32xf32, #tpu.memory_space<hbm>>
      tpu.enqueue_indirect_dma source(%dma_start3A_616 : memref<800768x32xf32, #tpu.memory_space<hbm>>) target(%arg8 : memref<250x32xf32, #tpu.memory_space<vmem>>) offsets(%dma_start3A_609 : memref<250xi32, #tpu.memory_space<vmem>>) semaphore(%arg14 : memref<!tpu.dma_semaphore, #tpu.memory_space<semaphore_mem>>)
      %dma_wait3A_617 = arith.constant 0 : i32
      %dma_wait3A_618 = arith.constant 0 : i32
      %dma_wait3A_619 = arith.constant 0 : i32
      %dma_wait3A_620 = tpu.memref_slice %arg5[%dma_wait3A_617, %dma_wait3A_618, %dma_wait3A_619] : memref<2x50048x32xf32, #tpu.memory_space<hbm>> -> memref<1x250x32xf32, #tpu.memory_space<hbm>>
      %dma_wait3A_621 = tpu.memref_squeeze %dma_wait3A_620 : memref<1x250x32xf32, #tpu.memory_space<hbm>> -> memref<250x32xf32, #tpu.memory_space<hbm>>
      %dma_wait3A_622 = arith.constant 0 : i32
      %dma_wait3A_623 = arith.constant 0 : i32
      %dma_wait3A_624 = tpu.memref_slice %arg5[%dma_wait3A_617, %dma_wait3A_622, %dma_wait3A_623] : memref<2x50048x32xf32, #tpu.memory_space<hbm>> -> memref<1x250x32xf32, #tpu.memory_space<hbm>>
      %dma_wait3A_625 = tpu.memref_squeeze %dma_wait3A_624 : memref<1x250x32xf32, #tpu.memory_space<hbm>> -> memref<250x32xf32, #tpu.memory_space<hbm>>
      tpu.wait_dma2 semaphore(%arg14 : memref<!tpu.dma_semaphore, #tpu.memory_space<semaphore_mem>>) src(%dma_wait3A_625 : memref<250x32xf32, #tpu.memory_space<hbm>>) dst(%arg8 : memref<250x32xf32, #tpu.memory_space<vmem>>)
      %dma_start3A_626 = arith.constant 5 : i32
      %dma_start3A_627 = arith.constant 0 : i32
      %dma_start3A_628 = tpu.memref_slice %arg12[%dma_start3A_626, %dma_start3A_627] : memref<10x250xi32, #tpu.memory_space<vmem>> -> memref<1x250xi32, #tpu.memory_space<vmem>>
      %dma_start3A_629 = tpu.memref_squeeze %dma_start3A_628 : memref<1x250xi32, #tpu.memory_space<vmem>> -> memref<250xi32, #tpu.memory_space<vmem>>
      %dma_start3A_630 = arith.constant 0 : i32
      %dma_start3A_631 = arith.constant 0 : i32
      %dma_start3A_632 = tpu.memref_slice %arg6[%dma_start3A_630, %dma_start3A_631] : memref<50048x32xf32, #tpu.memory_space<vmem_shared>> -> memref<50048x32xf32, #tpu.memory_space<vmem_shared>>
      tpu.enqueue_indirect_dma source(%arg8 : memref<250x32xf32, #tpu.memory_space<vmem>>) target(%dma_start3A_632 : memref<50048x32xf32, #tpu.memory_space<vmem_shared>>) offsets(%dma_start3A_629 : memref<250xi32, #tpu.memory_space<vmem>>) semaphore(%arg16 : memref<!tpu.dma_semaphore, #tpu.memory_space<semaphore_mem>>) {add = true}
      %dma_wait3A_633 = arith.constant 0 : i32
      %dma_wait3A_634 = arith.constant 0 : i32
      %dma_wait3A_635 = tpu.memref_slice %arg6[%dma_wait3A_633, %dma_wait3A_634] : memref<50048x32xf32, #tpu.memory_space<vmem_shared>> -> memref<250x32xf32, #tpu.memory_space<vmem_shared>>
      %dma_wait3A_636 = arith.constant 0 : i32
      %dma_wait3A_637 = arith.constant 0 : i32
      %dma_wait3A_638 = tpu.memref_slice %arg6[%dma_wait3A_636, %dma_wait3A_637] : memref<50048x32xf32, #tpu.memory_space<vmem_shared>> -> memref<250x32xf32, #tpu.memory_space<vmem_shared>>
      tpu.wait_dma2 semaphore(%arg15 : memref<!tpu.dma_semaphore, #tpu.memory_space<semaphore_mem>>) src(%arg7 : memref<250x32xf32, #tpu.memory_space<vmem>>) dst(%dma_wait3A_638 : memref<250x32xf32, #tpu.memory_space<vmem_shared>>)
      %dma_start3A_639 = arith.constant 6 : i32
      %dma_start3A_640 = arith.constant 0 : i32
      %dma_start3A_641 = tpu.memref_slice %arg10[%dma_start3A_639, %dma_start3A_640] : memref<10x250xi32, #tpu.memory_space<vmem>> -> memref<1x250xi32, #tpu.memory_space<vmem>>
      %dma_start3A_642 = tpu.memref_squeeze %dma_start3A_641 : memref<1x250xi32, #tpu.memory_space<vmem>> -> memref<250xi32, #tpu.memory_space<vmem>>
      %dma_start3A_643 = arith.constant 0 : i32
      %dma_start3A_644 = arith.constant 0 : i32
      %dma_start3A_645 = tpu.memref_slice %arg2[%arg0, %dma_start3A_643, %dma_start3A_644] : memref<2x800768x32xf32, #tpu.memory_space<hbm>> -> memref<1x800768x32xf32, #tpu.memory_space<hbm>>
      %dma_start3A_646 = tpu.memref_squeeze %dma_start3A_645 : memref<1x800768x32xf32, #tpu.memory_space<hbm>> -> memref<800768x32xf32, #tpu.memory_space<hbm>>
      %dma_start3A_647 = arith.constant 0 : i32
      %dma_start3A_648 = arith.constant 0 : i32
      %dma_start3A_649 = tpu.memref_slice %dma_start3A_646[%dma_start3A_647, %dma_start3A_648] : memref<800768x32xf32, #tpu.memory_space<hbm>> -> memref<800768x32xf32, #tpu.memory_space<hbm>>
      tpu.enqueue_indirect_dma source(%dma_start3A_649 : memref<800768x32xf32, #tpu.memory_space<hbm>>) target(%arg7 : memref<250x32xf32, #tpu.memory_space<vmem>>) offsets(%dma_start3A_642 : memref<250xi32, #tpu.memory_space<vmem>>) semaphore(%arg13 : memref<!tpu.dma_semaphore, #tpu.memory_space<semaphore_mem>>)
      %dma_wait3A_650 = arith.constant 0 : i32
      %dma_wait3A_651 = arith.constant 0 : i32
      %dma_wait3A_652 = arith.constant 0 : i32
      %dma_wait3A_653 = tpu.memref_slice %arg5[%dma_wait3A_650, %dma_wait3A_651, %dma_wait3A_652] : memref<2x50048x32xf32, #tpu.memory_space<hbm>> -> memref<1x250x32xf32, #tpu.memory_space<hbm>>
      %dma_wait3A_654 = tpu.memref_squeeze %dma_wait3A_653 : memref<1x250x32xf32, #tpu.memory_space<hbm>> -> memref<250x32xf32, #tpu.memory_space<hbm>>
      %dma_wait3A_655 = arith.constant 0 : i32
      %dma_wait3A_656 = arith.constant 0 : i32
      %dma_wait3A_657 = tpu.memref_slice %arg5[%dma_wait3A_650, %dma_wait3A_655, %dma_wait3A_656] : memref<2x50048x32xf32, #tpu.memory_space<hbm>> -> memref<1x250x32xf32, #tpu.memory_space<hbm>>
      %dma_wait3A_658 = tpu.memref_squeeze %dma_wait3A_657 : memref<1x250x32xf32, #tpu.memory_space<hbm>> -> memref<250x32xf32, #tpu.memory_space<hbm>>
      tpu.wait_dma2 semaphore(%arg13 : memref<!tpu.dma_semaphore, #tpu.memory_space<semaphore_mem>>) src(%dma_wait3A_658 : memref<250x32xf32, #tpu.memory_space<hbm>>) dst(%arg7 : memref<250x32xf32, #tpu.memory_space<vmem>>)
      %dma_start3A_659 = arith.constant 6 : i32
      %dma_start3A_660 = arith.constant 0 : i32
      %dma_start3A_661 = tpu.memref_slice %arg12[%dma_start3A_659, %dma_start3A_660] : memref<10x250xi32, #tpu.memory_space<vmem>> -> memref<1x250xi32, #tpu.memory_space<vmem>>
      %dma_start3A_662 = tpu.memref_squeeze %dma_start3A_661 : memref<1x250xi32, #tpu.memory_space<vmem>> -> memref<250xi32, #tpu.memory_space<vmem>>
      %dma_start3A_663 = arith.constant 0 : i32
      %dma_start3A_664 = arith.constant 0 : i32
      %dma_start3A_665 = tpu.memref_slice %arg6[%dma_start3A_663, %dma_start3A_664] : memref<50048x32xf32, #tpu.memory_space<vmem_shared>> -> memref<50048x32xf32, #tpu.memory_space<vmem_shared>>
      tpu.enqueue_indirect_dma source(%arg7 : memref<250x32xf32, #tpu.memory_space<vmem>>) target(%dma_start3A_665 : memref<50048x32xf32, #tpu.memory_space<vmem_shared>>) offsets(%dma_start3A_662 : memref<250xi32, #tpu.memory_space<vmem>>) semaphore(%arg15 : memref<!tpu.dma_semaphore, #tpu.memory_space<semaphore_mem>>) {add = true}
      %dma_wait3A_666 = arith.constant 0 : i32
      %dma_wait3A_667 = arith.constant 0 : i32
      %dma_wait3A_668 = tpu.memref_slice %arg6[%dma_wait3A_666, %dma_wait3A_667] : memref<50048x32xf32, #tpu.memory_space<vmem_shared>> -> memref<250x32xf32, #tpu.memory_space<vmem_shared>>
      %dma_wait3A_669 = arith.constant 0 : i32
      %dma_wait3A_670 = arith.constant 0 : i32
      %dma_wait3A_671 = tpu.memref_slice %arg6[%dma_wait3A_669, %dma_wait3A_670] : memref<50048x32xf32, #tpu.memory_space<vmem_shared>> -> memref<250x32xf32, #tpu.memory_space<vmem_shared>>
      tpu.wait_dma2 semaphore(%arg16 : memref<!tpu.dma_semaphore, #tpu.memory_space<semaphore_mem>>) src(%arg8 : memref<250x32xf32, #tpu.memory_space<vmem>>) dst(%dma_wait3A_671 : memref<250x32xf32, #tpu.memory_space<vmem_shared>>)
      %dma_start3A_672 = arith.constant 7 : i32
      %dma_start3A_673 = arith.constant 0 : i32
      %dma_start3A_674 = tpu.memref_slice %arg10[%dma_start3A_672, %dma_start3A_673] : memref<10x250xi32, #tpu.memory_space<vmem>> -> memref<1x250xi32, #tpu.memory_space<vmem>>
      %dma_start3A_675 = tpu.memref_squeeze %dma_start3A_674 : memref<1x250xi32, #tpu.memory_space<vmem>> -> memref<250xi32, #tpu.memory_space<vmem>>
      %dma_start3A_676 = arith.constant 0 : i32
      %dma_start3A_677 = arith.constant 0 : i32
      %dma_start3A_678 = tpu.memref_slice %arg2[%arg0, %dma_start3A_676, %dma_start3A_677] : memref<2x800768x32xf32, #tpu.memory_space<hbm>> -> memref<1x800768x32xf32, #tpu.memory_space<hbm>>
      %dma_start3A_679 = tpu.memref_squeeze %dma_start3A_678 : memref<1x800768x32xf32, #tpu.memory_space<hbm>> -> memref<800768x32xf32, #tpu.memory_space<hbm>>
      %dma_start3A_680 = arith.constant 0 : i32
      %dma_start3A_681 = arith.constant 0 : i32
      %dma_start3A_682 = tpu.memref_slice %dma_start3A_679[%dma_start3A_680, %dma_start3A_681] : memref<800768x32xf32, #tpu.memory_space<hbm>> -> memref<800768x32xf32, #tpu.memory_space<hbm>>
      tpu.enqueue_indirect_dma source(%dma_start3A_682 : memref<800768x32xf32, #tpu.memory_space<hbm>>) target(%arg8 : memref<250x32xf32, #tpu.memory_space<vmem>>) offsets(%dma_start3A_675 : memref<250xi32, #tpu.memory_space<vmem>>) semaphore(%arg14 : memref<!tpu.dma_semaphore, #tpu.memory_space<semaphore_mem>>)
      %dma_wait3A_683 = arith.constant 0 : i32
      %dma_wait3A_684 = arith.constant 0 : i32
      %dma_wait3A_685 = arith.constant 0 : i32
      %dma_wait3A_686 = tpu.memref_slice %arg5[%dma_wait3A_683, %dma_wait3A_684, %dma_wait3A_685] : memref<2x50048x32xf32, #tpu.memory_space<hbm>> -> memref<1x250x32xf32, #tpu.memory_space<hbm>>
      %dma_wait3A_687 = tpu.memref_squeeze %dma_wait3A_686 : memref<1x250x32xf32, #tpu.memory_space<hbm>> -> memref<250x32xf32, #tpu.memory_space<hbm>>
      %dma_wait3A_688 = arith.constant 0 : i32
      %dma_wait3A_689 = arith.constant 0 : i32
      %dma_wait3A_690 = tpu.memref_slice %arg5[%dma_wait3A_683, %dma_wait3A_688, %dma_wait3A_689] : memref<2x50048x32xf32, #tpu.memory_space<hbm>> -> memref<1x250x32xf32, #tpu.memory_space<hbm>>
      %dma_wait3A_691 = tpu.memref_squeeze %dma_wait3A_690 : memref<1x250x32xf32, #tpu.memory_space<hbm>> -> memref<250x32xf32, #tpu.memory_space<hbm>>
      tpu.wait_dma2 semaphore(%arg14 : memref<!tpu.dma_semaphore, #tpu.memory_space<semaphore_mem>>) src(%dma_wait3A_691 : memref<250x32xf32, #tpu.memory_space<hbm>>) dst(%arg8 : memref<250x32xf32, #tpu.memory_space<vmem>>)
      %dma_start3A_692 = arith.constant 7 : i32
      %dma_start3A_693 = arith.constant 0 : i32
      %dma_start3A_694 = tpu.memref_slice %arg12[%dma_start3A_692, %dma_start3A_693] : memref<10x250xi32, #tpu.memory_space<vmem>> -> memref<1x250xi32, #tpu.memory_space<vmem>>
      %dma_start3A_695 = tpu.memref_squeeze %dma_start3A_694 : memref<1x250xi32, #tpu.memory_space<vmem>> -> memref<250xi32, #tpu.memory_space<vmem>>
      %dma_start3A_696 = arith.constant 0 : i32
      %dma_start3A_697 = arith.constant 0 : i32
      %dma_start3A_698 = tpu.memref_slice %arg6[%dma_start3A_696, %dma_start3A_697] : memref<50048x32xf32, #tpu.memory_space<vmem_shared>> -> memref<50048x32xf32, #tpu.memory_space<vmem_shared>>
      tpu.enqueue_indirect_dma source(%arg8 : memref<250x32xf32, #tpu.memory_space<vmem>>) target(%dma_start3A_698 : memref<50048x32xf32, #tpu.memory_space<vmem_shared>>) offsets(%dma_start3A_695 : memref<250xi32, #tpu.memory_space<vmem>>) semaphore(%arg16 : memref<!tpu.dma_semaphore, #tpu.memory_space<semaphore_mem>>) {add = true}
      %dma_wait3A_699 = arith.constant 0 : i32
      %dma_wait3A_700 = arith.constant 0 : i32
      %dma_wait3A_701 = tpu.memref_slice %arg6[%dma_wait3A_699, %dma_wait3A_700] : memref<50048x32xf32, #tpu.memory_space<vmem_shared>> -> memref<250x32xf32, #tpu.memory_space<vmem_shared>>
      %dma_wait3A_702 = arith.constant 0 : i32
      %dma_wait3A_703 = arith.constant 0 : i32
      %dma_wait3A_704 = tpu.memref_slice %arg6[%dma_wait3A_702, %dma_wait3A_703] : memref<50048x32xf32, #tpu.memory_space<vmem_shared>> -> memref<250x32xf32, #tpu.memory_space<vmem_shared>>
      tpu.wait_dma2 semaphore(%arg15 : memref<!tpu.dma_semaphore, #tpu.memory_space<semaphore_mem>>) src(%arg7 : memref<250x32xf32, #tpu.memory_space<vmem>>) dst(%dma_wait3A_704 : memref<250x32xf32, #tpu.memory_space<vmem_shared>>)
      %dma_start3A_705 = arith.constant 8 : i32
      %dma_start3A_706 = arith.constant 0 : i32
      %dma_start3A_707 = tpu.memref_slice %arg10[%dma_start3A_705, %dma_start3A_706] : memref<10x250xi32, #tpu.memory_space<vmem>> -> memref<1x250xi32, #tpu.memory_space<vmem>>
      %dma_start3A_708 = tpu.memref_squeeze %dma_start3A_707 : memref<1x250xi32, #tpu.memory_space<vmem>> -> memref<250xi32, #tpu.memory_space<vmem>>
      %dma_start3A_709 = arith.constant 0 : i32
      %dma_start3A_710 = arith.constant 0 : i32
      %dma_start3A_711 = tpu.memref_slice %arg2[%arg0, %dma_start3A_709, %dma_start3A_710] : memref<2x800768x32xf32, #tpu.memory_space<hbm>> -> memref<1x800768x32xf32, #tpu.memory_space<hbm>>
      %dma_start3A_712 = tpu.memref_squeeze %dma_start3A_711 : memref<1x800768x32xf32, #tpu.memory_space<hbm>> -> memref<800768x32xf32, #tpu.memory_space<hbm>>
      %dma_start3A_713 = arith.constant 0 : i32
      %dma_start3A_714 = arith.constant 0 : i32
      %dma_start3A_715 = tpu.memref_slice %dma_start3A_712[%dma_start3A_713, %dma_start3A_714] : memref<800768x32xf32, #tpu.memory_space<hbm>> -> memref<800768x32xf32, #tpu.memory_space<hbm>>
      tpu.enqueue_indirect_dma source(%dma_start3A_715 : memref<800768x32xf32, #tpu.memory_space<hbm>>) target(%arg7 : memref<250x32xf32, #tpu.memory_space<vmem>>) offsets(%dma_start3A_708 : memref<250xi32, #tpu.memory_space<vmem>>) semaphore(%arg13 : memref<!tpu.dma_semaphore, #tpu.memory_space<semaphore_mem>>)
      %dma_wait3A_716 = arith.constant 0 : i32
      %dma_wait3A_717 = arith.constant 0 : i32
      %dma_wait3A_718 = arith.constant 0 : i32
      %dma_wait3A_719 = tpu.memref_slice %arg5[%dma_wait3A_716, %dma_wait3A_717, %dma_wait3A_718] : memref<2x50048x32xf32, #tpu.memory_space<hbm>> -> memref<1x250x32xf32, #tpu.memory_space<hbm>>
      %dma_wait3A_720 = tpu.memref_squeeze %dma_wait3A_719 : memref<1x250x32xf32, #tpu.memory_space<hbm>> -> memref<250x32xf32, #tpu.memory_space<hbm>>
      %dma_wait3A_721 = arith.constant 0 : i32
      %dma_wait3A_722 = arith.constant 0 : i32
      %dma_wait3A_723 = tpu.memref_slice %arg5[%dma_wait3A_716, %dma_wait3A_721, %dma_wait3A_722] : memref<2x50048x32xf32, #tpu.memory_space<hbm>> -> memref<1x250x32xf32, #tpu.memory_space<hbm>>
      %dma_wait3A_724 = tpu.memref_squeeze %dma_wait3A_723 : memref<1x250x32xf32, #tpu.memory_space<hbm>> -> memref<250x32xf32, #tpu.memory_space<hbm>>
      tpu.wait_dma2 semaphore(%arg13 : memref<!tpu.dma_semaphore, #tpu.memory_space<semaphore_mem>>) src(%dma_wait3A_724 : memref<250x32xf32, #tpu.memory_space<hbm>>) dst(%arg7 : memref<250x32xf32, #tpu.memory_space<vmem>>)
      %dma_start3A_725 = arith.constant 8 : i32
      %dma_start3A_726 = arith.constant 0 : i32
      %dma_start3A_727 = tpu.memref_slice %arg12[%dma_start3A_725, %dma_start3A_726] : memref<10x250xi32, #tpu.memory_space<vmem>> -> memref<1x250xi32, #tpu.memory_space<vmem>>
      %dma_start3A_728 = tpu.memref_squeeze %dma_start3A_727 : memref<1x250xi32, #tpu.memory_space<vmem>> -> memref<250xi32, #tpu.memory_space<vmem>>
      %dma_start3A_729 = arith.constant 0 : i32
      %dma_start3A_730 = arith.constant 0 : i32
      %dma_start3A_731 = tpu.memref_slice %arg6[%dma_start3A_729, %dma_start3A_730] : memref<50048x32xf32, #tpu.memory_space<vmem_shared>> -> memref<50048x32xf32, #tpu.memory_space<vmem_shared>>
      tpu.enqueue_indirect_dma source(%arg7 : memref<250x32xf32, #tpu.memory_space<vmem>>) target(%dma_start3A_731 : memref<50048x32xf32, #tpu.memory_space<vmem_shared>>) offsets(%dma_start3A_728 : memref<250xi32, #tpu.memory_space<vmem>>) semaphore(%arg15 : memref<!tpu.dma_semaphore, #tpu.memory_space<semaphore_mem>>) {add = true}
      %dma_wait3A_732 = arith.constant 0 : i32
      %dma_wait3A_733 = arith.constant 0 : i32
      %dma_wait3A_734 = tpu.memref_slice %arg6[%dma_wait3A_732, %dma_wait3A_733] : memref<50048x32xf32, #tpu.memory_space<vmem_shared>> -> memref<250x32xf32, #tpu.memory_space<vmem_shared>>
      %dma_wait3A_735 = arith.constant 0 : i32
      %dma_wait3A_736 = arith.constant 0 : i32
      %dma_wait3A_737 = tpu.memref_slice %arg6[%dma_wait3A_735, %dma_wait3A_736] : memref<50048x32xf32, #tpu.memory_space<vmem_shared>> -> memref<250x32xf32, #tpu.memory_space<vmem_shared>>
      tpu.wait_dma2 semaphore(%arg16 : memref<!tpu.dma_semaphore, #tpu.memory_space<semaphore_mem>>) src(%arg8 : memref<250x32xf32, #tpu.memory_space<vmem>>) dst(%dma_wait3A_737 : memref<250x32xf32, #tpu.memory_space<vmem_shared>>)
      %dma_start3A_738 = arith.constant 9 : i32
      %dma_start3A_739 = arith.constant 0 : i32
      %dma_start3A_740 = tpu.memref_slice %arg10[%dma_start3A_738, %dma_start3A_739] : memref<10x250xi32, #tpu.memory_space<vmem>> -> memref<1x250xi32, #tpu.memory_space<vmem>>
      %dma_start3A_741 = tpu.memref_squeeze %dma_start3A_740 : memref<1x250xi32, #tpu.memory_space<vmem>> -> memref<250xi32, #tpu.memory_space<vmem>>
      %dma_start3A_742 = arith.constant 0 : i32
      %dma_start3A_743 = arith.constant 0 : i32
      %dma_start3A_744 = tpu.memref_slice %arg2[%arg0, %dma_start3A_742, %dma_start3A_743] : memref<2x800768x32xf32, #tpu.memory_space<hbm>> -> memref<1x800768x32xf32, #tpu.memory_space<hbm>>
      %dma_start3A_745 = tpu.memref_squeeze %dma_start3A_744 : memref<1x800768x32xf32, #tpu.memory_space<hbm>> -> memref<800768x32xf32, #tpu.memory_space<hbm>>
      %dma_start3A_746 = arith.constant 0 : i32
      %dma_start3A_747 = arith.constant 0 : i32
      %dma_start3A_748 = tpu.memref_slice %dma_start3A_745[%dma_start3A_746, %dma_start3A_747] : memref<800768x32xf32, #tpu.memory_space<hbm>> -> memref<800768x32xf32, #tpu.memory_space<hbm>>
      tpu.enqueue_indirect_dma source(%dma_start3A_748 : memref<800768x32xf32, #tpu.memory_space<hbm>>) target(%arg8 : memref<250x32xf32, #tpu.memory_space<vmem>>) offsets(%dma_start3A_741 : memref<250xi32, #tpu.memory_space<vmem>>) semaphore(%arg14 : memref<!tpu.dma_semaphore, #tpu.memory_space<semaphore_mem>>)
      %dma_wait3A_749 = arith.constant 0 : i32
      %dma_wait3A_750 = arith.constant 0 : i32
      %dma_wait3A_751 = arith.constant 0 : i32
      %dma_wait3A_752 = tpu.memref_slice %arg5[%dma_wait3A_749, %dma_wait3A_750, %dma_wait3A_751] : memref<2x50048x32xf32, #tpu.memory_space<hbm>> -> memref<1x250x32xf32, #tpu.memory_space<hbm>>
      %dma_wait3A_753 = tpu.memref_squeeze %dma_wait3A_752 : memref<1x250x32xf32, #tpu.memory_space<hbm>> -> memref<250x32xf32, #tpu.memory_space<hbm>>
      %dma_wait3A_754 = arith.constant 0 : i32
      %dma_wait3A_755 = arith.constant 0 : i32
      %dma_wait3A_756 = tpu.memref_slice %arg5[%dma_wait3A_749, %dma_wait3A_754, %dma_wait3A_755] : memref<2x50048x32xf32, #tpu.memory_space<hbm>> -> memref<1x250x32xf32, #tpu.memory_space<hbm>>
      %dma_wait3A_757 = tpu.memref_squeeze %dma_wait3A_756 : memref<1x250x32xf32, #tpu.memory_space<hbm>> -> memref<250x32xf32, #tpu.memory_space<hbm>>
      tpu.wait_dma2 semaphore(%arg14 : memref<!tpu.dma_semaphore, #tpu.memory_space<semaphore_mem>>) src(%dma_wait3A_757 : memref<250x32xf32, #tpu.memory_space<hbm>>) dst(%arg8 : memref<250x32xf32, #tpu.memory_space<vmem>>)
      %dma_start3A_758 = arith.constant 9 : i32
      %dma_start3A_759 = arith.constant 0 : i32
      %dma_start3A_760 = tpu.memref_slice %arg12[%dma_start3A_758, %dma_start3A_759] : memref<10x250xi32, #tpu.memory_space<vmem>> -> memref<1x250xi32, #tpu.memory_space<vmem>>
      %dma_start3A_761 = tpu.memref_squeeze %dma_start3A_760 : memref<1x250xi32, #tpu.memory_space<vmem>> -> memref<250xi32, #tpu.memory_space<vmem>>
      %dma_start3A_762 = arith.constant 0 : i32
      %dma_start3A_763 = arith.constant 0 : i32
      %dma_start3A_764 = tpu.memref_slice %arg6[%dma_start3A_762, %dma_start3A_763] : memref<50048x32xf32, #tpu.memory_space<vmem_shared>> -> memref<50048x32xf32, #tpu.memory_space<vmem_shared>>
      tpu.enqueue_indirect_dma source(%arg8 : memref<250x32xf32, #tpu.memory_space<vmem>>) target(%dma_start3A_764 : memref<50048x32xf32, #tpu.memory_space<vmem_shared>>) offsets(%dma_start3A_761 : memref<250xi32, #tpu.memory_space<vmem>>) semaphore(%arg16 : memref<!tpu.dma_semaphore, #tpu.memory_space<semaphore_mem>>) {add = true}
      %dma_wait3A_765 = arith.constant 0 : i32
      %dma_wait3A_766 = arith.constant 0 : i32
      %dma_wait3A_767 = tpu.memref_slice %arg6[%dma_wait3A_765, %dma_wait3A_766] : memref<50048x32xf32, #tpu.memory_space<vmem_shared>> -> memref<250x32xf32, #tpu.memory_space<vmem_shared>>
      %dma_wait3A_768 = arith.constant 0 : i32
      %dma_wait3A_769 = arith.constant 0 : i32
      %dma_wait3A_770 = tpu.memref_slice %arg6[%dma_wait3A_768, %dma_wait3A_769] : memref<50048x32xf32, #tpu.memory_space<vmem_shared>> -> memref<250x32xf32, #tpu.memory_space<vmem_shared>>
      tpu.wait_dma2 semaphore(%arg15 : memref<!tpu.dma_semaphore, #tpu.memory_space<semaphore_mem>>) src(%arg7 : memref<250x32xf32, #tpu.memory_space<vmem>>) dst(%dma_wait3A_770 : memref<250x32xf32, #tpu.memory_space<vmem_shared>>)
      %dma_wait3A_771 = arith.constant 0 : i32
      %dma_wait3A_772 = arith.constant 0 : i32
      %dma_wait3A_773 = tpu.memref_slice %arg3[%dma_wait3A_771, %dma_wait3A_772] : memref<3200x250xi32, #tpu.memory_space<hbm>> -> memref<10x250xi32, #tpu.memory_space<hbm>>
      %dma_wait3A_774 = arith.constant 0 : i32
      %dma_wait3A_775 = arith.constant 0 : i32
      %dma_wait3A_776 = tpu.memref_slice %arg3[%dma_wait3A_774, %dma_wait3A_775] : memref<3200x250xi32, #tpu.memory_space<hbm>> -> memref<10x250xi32, #tpu.memory_space<hbm>>
      tpu.wait_dma2 semaphore(%arg17 : memref<!tpu.dma_semaphore, #tpu.memory_space<semaphore_mem>>) src(%dma_wait3A_776 : memref<10x250xi32, #tpu.memory_space<hbm>>) dst(%arg9 : memref<10x250xi32, #tpu.memory_space<vmem>>)
      %dma_wait3A_777 = arith.constant 0 : i32
      %dma_wait3A_778 = arith.constant 0 : i32
      %dma_wait3A_779 = tpu.memref_slice %arg4[%dma_wait3A_777, %dma_wait3A_778] : memref<3200x250xi32, #tpu.memory_space<hbm>> -> memref<10x250xi32, #tpu.memory_space<hbm>>
      %dma_wait3A_780 = arith.constant 0 : i32
      %dma_wait3A_781 = arith.constant 0 : i32
      %dma_wait3A_782 = tpu.memref_slice %arg4[%dma_wait3A_780, %dma_wait3A_781] : memref<3200x250xi32, #tpu.memory_space<hbm>> -> memref<10x250xi32, #tpu.memory_space<hbm>>
      tpu.wait_dma2 semaphore(%arg17 : memref<!tpu.dma_semaphore, #tpu.memory_space<semaphore_mem>>) src(%dma_wait3A_782 : memref<10x250xi32, #tpu.memory_space<hbm>>) dst(%arg11 : memref<10x250xi32, #tpu.memory_space<vmem>>)
      %dma_start3A_783 = arith.constant 0 : i32
      %dma_start3A_784 = arith.constant 0 : i32
      %dma_start3A_785 = tpu.memref_slice %arg9[%dma_start3A_783, %dma_start3A_784] : memref<10x250xi32, #tpu.memory_space<vmem>> -> memref<1x250xi32, #tpu.memory_space<vmem>>
      %dma_start3A_786 = tpu.memref_squeeze %dma_start3A_785 : memref<1x250xi32, #tpu.memory_space<vmem>> -> memref<250xi32, #tpu.memory_space<vmem>>
      %dma_start3A_787 = arith.constant 0 : i32
      %dma_start3A_788 = arith.constant 0 : i32
      %dma_start3A_789 = tpu.memref_slice %arg2[%arg0, %dma_start3A_787, %dma_start3A_788] : memref<2x800768x32xf32, #tpu.memory_space<hbm>> -> memref<1x800768x32xf32, #tpu.memory_space<hbm>>
      %dma_start3A_790 = tpu.memref_squeeze %dma_start3A_789 : memref<1x800768x32xf32, #tpu.memory_space<hbm>> -> memref<800768x32xf32, #tpu.memory_space<hbm>>
      %dma_start3A_791 = arith.constant 0 : i32
      %dma_start3A_792 = arith.constant 0 : i32
      %dma_start3A_793 = tpu.memref_slice %dma_start3A_790[%dma_start3A_791, %dma_start3A_792] : memref<800768x32xf32, #tpu.memory_space<hbm>> -> memref<800768x32xf32, #tpu.memory_space<hbm>>
      tpu.enqueue_indirect_dma source(%dma_start3A_793 : memref<800768x32xf32, #tpu.memory_space<hbm>>) target(%arg7 : memref<250x32xf32, #tpu.memory_space<vmem>>) offsets(%dma_start3A_786 : memref<250xi32, #tpu.memory_space<vmem>>) semaphore(%arg13 : memref<!tpu.dma_semaphore, #tpu.memory_space<semaphore_mem>>)
      %scan3A_794 = arith.constant 0 : i32
      scf.yield %scan3A_794 : i32
    }
    %scan3A_60 = arith.constant 10 : i32
    %dma_wait3A_61 = arith.constant 0 : i32
    %dma_wait3A_62 = arith.constant 0 : i32
    %dma_wait3A_63 = arith.constant 0 : i32
    %dma_wait3A_64 = tpu.memref_slice %arg5[%dma_wait3A_61, %dma_wait3A_62, %dma_wait3A_63] : memref<2x50048x32xf32, #tpu.memory_space<hbm>> -> memref<1x250x32xf32, #tpu.memory_space<hbm>>
    %dma_wait3A_65 = tpu.memref_squeeze %dma_wait3A_64 : memref<1x250x32xf32, #tpu.memory_space<hbm>> -> memref<250x32xf32, #tpu.memory_space<hbm>>
    %dma_wait3A_66 = arith.constant 0 : i32
    %dma_wait3A_67 = arith.constant 0 : i32
    %dma_wait3A_68 = tpu.memref_slice %arg5[%dma_wait3A_61, %dma_wait3A_66, %dma_wait3A_67] : memref<2x50048x32xf32, #tpu.memory_space<hbm>> -> memref<1x250x32xf32, #tpu.memory_space<hbm>>
    %dma_wait3A_69 = tpu.memref_squeeze %dma_wait3A_68 : memref<1x250x32xf32, #tpu.memory_space<hbm>> -> memref<250x32xf32, #tpu.memory_space<hbm>>
    tpu.wait_dma2 semaphore(%arg13 : memref<!tpu.dma_semaphore, #tpu.memory_space<semaphore_mem>>) src(%dma_wait3A_69 : memref<250x32xf32, #tpu.memory_space<hbm>>) dst(%arg7 : memref<250x32xf32, #tpu.memory_space<vmem>>)
    %dma_wait3A_70 = arith.constant 0 : i32
    %dma_wait3A_71 = arith.constant 0 : i32
    %dma_wait3A_72 = tpu.memref_slice %arg6[%dma_wait3A_70, %dma_wait3A_71] : memref<50048x32xf32, #tpu.memory_space<vmem_shared>> -> memref<250x32xf32, #tpu.memory_space<vmem_shared>>
    %dma_wait3A_73 = arith.constant 0 : i32
    %dma_wait3A_74 = arith.constant 0 : i32
    %dma_wait3A_75 = tpu.memref_slice %arg6[%dma_wait3A_73, %dma_wait3A_74] : memref<50048x32xf32, #tpu.memory_space<vmem_shared>> -> memref<250x32xf32, #tpu.memory_space<vmem_shared>>
    tpu.wait_dma2 semaphore(%arg16 : memref<!tpu.dma_semaphore, #tpu.memory_space<semaphore_mem>>) src(%arg8 : memref<250x32xf32, #tpu.memory_space<vmem>>) dst(%dma_wait3A_75 : memref<250x32xf32, #tpu.memory_space<vmem_shared>>)
    %barrier3A_76 = arith.constant 0 : index
    tpu.barrier barrier_id(%barrier3A_76)
    "tpu.region"() ({
      %run_scoped3A = tpu.sem_alloc : memref<!tpu.dma_semaphore, #tpu.memory_space<semaphore_mem>>
      %dma_start3A_77 = arith.constant 0 : i32
      %dma_start3A_78 = tpu.memref_slice %arg5[%arg0, %mul3A_0, %dma_start3A_77] : memref<2x50048x32xf32, #tpu.memory_space<hbm>> -> memref<1x3128x32xf32, #tpu.memory_space<hbm>>
      %dma_start3A_79 = tpu.memref_squeeze %dma_start3A_78 : memref<1x3128x32xf32, #tpu.memory_space<hbm>> -> memref<3128x32xf32, #tpu.memory_space<hbm>>
      %dma_start3A_80 = arith.constant 0 : i32
      %dma_start3A_81 = tpu.memref_slice %arg6[%mul3A_0, %dma_start3A_80] : memref<50048x32xf32, #tpu.memory_space<vmem_shared>> -> memref<3128x32xf32, #tpu.memory_space<vmem_shared>>
      tpu.enqueue_dma source(%dma_start3A_81 : memref<3128x32xf32, #tpu.memory_space<vmem_shared>>) target(%dma_start3A_79 : memref<3128x32xf32, #tpu.memory_space<hbm>>) target_semaphore(%run_scoped3A : memref<!tpu.dma_semaphore, #tpu.memory_space<semaphore_mem>>)
      %dma_wait3A_82 = arith.constant 0 : i32
      %dma_wait3A_83 = tpu.memref_slice %arg5[%arg0, %mul3A_0, %dma_wait3A_82] : memref<2x50048x32xf32, #tpu.memory_space<hbm>> -> memref<1x3128x32xf32, #tpu.memory_space<hbm>>
      %dma_wait3A_84 = tpu.memref_squeeze %dma_wait3A_83 : memref<1x3128x32xf32, #tpu.memory_space<hbm>> -> memref<3128x32xf32, #tpu.memory_space<hbm>>
      %dma_wait3A_85 = arith.constant 0 : i32
      %dma_wait3A_86 = tpu.memref_slice %arg6[%mul3A_0, %dma_wait3A_85] : memref<50048x32xf32, #tpu.memory_space<vmem_shared>> -> memref<3128x32xf32, #tpu.memory_space<vmem_shared>>
      tpu.wait_dma2 semaphore(%run_scoped3A : memref<!tpu.dma_semaphore, #tpu.memory_space<semaphore_mem>>) src(%dma_wait3A_86 : memref<3128x32xf32, #tpu.memory_space<vmem_shared>>) dst(%dma_wait3A_84 : memref<3128x32xf32, #tpu.memory_space<hbm>>)
      tpu.yield
    }) : () -> ()
    return
  }
}

module attributes {stable_mosaic.version = 14 : i64} {
  func.func @_ci_body(%arg0: memref<800000xi32, #tpu.memory_space<vmem>>, %arg1: memref<800000xi32, #tpu.memory_space<vmem>>, %arg2: memref<800000xi32, #tpu.memory_space<vmem>>) attributes {dimension_semantics = [], scalar_prefetch = 0 : i64, scratch_operands = 0 : i64, tpu.core_type = #tpu.core_type<tc>} {
    %get3A = arith.constant 0 : index
    %get3A_0 = vector.load %arg1[%get3A] : memref<800000xi32, #tpu.memory_space<vmem>>, vector<800000xi32>
    %mul3A = arith.constant 50048 : i32
    %mul3A_1 = vector.broadcast %mul3A : i32 to vector<800000xi32>
    %mul3A_2 = arith.muli %get3A_0, %mul3A_1 : vector<800000xi32>
    %get3A_3 = arith.constant 0 : index
    %get3A_4 = vector.load %arg0[%get3A_3] : memref<800000xi32, #tpu.memory_space<vmem>>, vector<800000xi32>
    %add3A = arith.addi %mul3A_2, %get3A_4 : vector<800000xi32>
    %swap3A = arith.constant 0 : index
    %swap3A_5 = vector.load %arg2[%swap3A] : memref<800000xi32, #tpu.memory_space<vmem>>, vector<800000xi32>
    tpu.vector_store %arg2[%swap3A], %add3A {strides = array<i32>} : memref<800000xi32, #tpu.memory_space<vmem>>, vector<800000xi32>,
    return
  }
}

module attributes {stable_mosaic.version = 14 : i64} {
  func.func @_tb_body(%arg0: i32, %arg1: i32, %arg2: memref<12512x128xf32, #tpu.memory_space<vmem>>, %arg3: memref<32x128xf32, #tpu.memory_space<vmem>>, %arg4: memref<12512x128xf32, #tpu.memory_space<vmem>>) attributes {dimension_semantics = [#tpu.dimension_semantics<arbitrary>, #tpu.dimension_semantics<arbitrary>], iteration_bounds = array<i64: 2, 16>, scalar_prefetch = 0 : i64, scratch_operands = 0 : i64, tpu.core_type = #tpu.core_type<tc>, window_params = [{transform_indices = @transform_0, window_bounds = array<i64: 12512, 128>}, {pipeline_mode = #tpu.pipeline_mode<synchronous>, transform_indices = @transform_1, window_bounds = array<i64: 32, 128>}, {transform_indices = @transform_2, window_bounds = array<i64: 12512, 128>}]} {
    %mul3A = arith.constant 16 : i32
    %mul3A_0 = arith.muli %arg0, %mul3A : i32
    %add3A = arith.addi %mul3A_0, %arg1 : i32
    %get3A = arith.constant 0 : index
    %get3A_1 = arith.constant 0 : index
    %get3A_2 = vector.load %arg2[%get3A, %get3A_1] : memref<12512x128xf32, #tpu.memory_space<vmem>>, vector<12512x128xf32>
    %get3A_3 = arith.index_cast %add3A : i32 to index
    %get3A_4 = arith.constant 0 : index
    %get3A_5 = vector.load %arg3[%get3A_3, %get3A_4] : memref<32x128xf32, #tpu.memory_space<vmem>>, vector<1x128xf32>
    %mul3A_6 = vector.broadcast %get3A_5 : vector<1x128xf32> to vector<12512x128xf32>
    %mul3A_7 = arith.mulf %get3A_2, %mul3A_6 : vector<12512x128xf32>
    %swap3A = arith.constant 0 : index
    %swap3A_8 = arith.constant 0 : index
    %swap3A_9 = vector.load %arg4[%swap3A, %swap3A_8] : memref<12512x128xf32, #tpu.memory_space<vmem>>, vector<12512x128xf32>
    tpu.vector_store %arg4[%swap3A, %swap3A_8], %mul3A_7 {strides = array<i32>} : memref<12512x128xf32, #tpu.memory_space<vmem>>, vector<12512x128xf32>,
    return
  }
  func.func @transform_0(%arg0: i32, %arg1: i32) -> (i32, i32) {
    %c0_i32 = arith.constant 0 : i32
    %c0_i32_0 = arith.constant 0 : i32
    return %arg0, %c0_i32 : i32, i32
  }
  func.func @transform_1(%arg0: i32, %arg1: i32) -> (i32, i32) {
    %c0_i32 = arith.constant 0 : i32
    %c0_i32_0 = arith.constant 0 : i32
    %c0_i32_1 = arith.constant 0 : i32
    return %c0_i32, %c0_i32_0 : i32, i32
  }
  func.func @transform_2(%arg0: i32, %arg1: i32) -> (i32, i32) {
    %mul3A = arith.constant 16 : i32
    %mul3A_0 = arith.muli %arg0, %mul3A : i32
    %add3A = arith.addi %mul3A_0, %arg1 : i32
    %c0_i32 = arith.constant 0 : i32
    %c0_i32_1 = arith.constant 0 : i32
    return %add3A, %c0_i32 : i32, i32
  }
}

module attributes {stable_mosaic.version = 14 : i64} {
  func.func @_mm_body(%arg0: i32, %arg1: memref<64x1920xf32, #tpu.memory_space<vmem>>, %arg2: memref<1920x1024xf32, #tpu.memory_space<vmem>>, %arg3: memref<64x1024xf32, #tpu.memory_space<vmem>>) attributes {dimension_semantics = [#tpu.dimension_semantics<arbitrary>], iteration_bounds = array<i64: 27>, scalar_prefetch = 0 : i64, scratch_operands = 0 : i64, tpu.core_type = #tpu.core_type<tc>, window_params = [{transform_indices = @transform_0, window_bounds = array<i64: 64, 1920>}, {transform_indices = @transform_1, window_bounds = array<i64: 1920, 1024>}, {pipeline_mode = #tpu.pipeline_mode<synchronous>, transform_indices = @transform_2, window_bounds = array<i64: 64, 1024>}]} {
    %eq3A = arith.constant 0 : i32
    %eq3A_0 = arith.cmpi eq, %arg0, %eq3A : i32
    %convert_element_type3A = arith.extui %eq3A_0 : i1 to i32
    %cond3A = arith.constant 0 : i32
    %cond3A_1 = arith.cmpi ne, %convert_element_type3A, %cond3A : i32
    scf.if %cond3A_1 {
      %broadcast_in_dim3A_18 = arith.constant 0.000000e+00 : f32
      %broadcast_in_dim3A_19 = vector.broadcast %broadcast_in_dim3A_18 : f32 to vector<64x1024xf32>
      %swap3A_20 = arith.constant 0 : index
      %swap3A_21 = arith.constant 0 : index
      %swap3A_22 = vector.load %arg3[%swap3A_20, %swap3A_21] : memref<64x1024xf32, #tpu.memory_space<vmem>>, vector<64x1024xf32>
      tpu.vector_store %arg3[%swap3A_20, %swap3A_21], %broadcast_in_dim3A_19 {strides = array<i32>} : memref<64x1024xf32, #tpu.memory_space<vmem>>, vector<64x1024xf32>,
    } else {
    }
    %get3A = arith.constant 0 : index
    %get3A_2 = arith.constant 0 : index
    %get3A_3 = vector.load %arg1[%get3A, %get3A_2] : memref<64x1920xf32, #tpu.memory_space<vmem>>, vector<64x1920xf32>
    %iota3A = tpu.iota {dimensions = array<i32: 1>} : vector<64x1920xi32>
    %mul3A = arith.constant 1920 : i32
    %mul3A_4 = arith.muli %arg0, %mul3A : i32
    %add3A = vector.broadcast %mul3A_4 : i32 to vector<64x1920xi32>
    %add3A_5 = arith.addi %iota3A, %add3A : vector<64x1920xi32>
    %lt3A = arith.constant 50000 : i32
    %lt3A_6 = vector.broadcast %lt3A : i32 to vector<64x1920xi32>
    %lt3A_7 = arith.cmpi slt, %add3A_5, %lt3A_6 : vector<64x1920xi32>
    %jit3A = arith.constant 0.000000e+00 : f32
    %broadcast_in_dim3A = vector.broadcast %jit3A : f32 to vector<64x1920xf32>
    %select_n3A = arith.select %lt3A_7, %get3A_3, %broadcast_in_dim3A : vector<64x1920xi1>, vector<64x1920xf32>
    %get3A_8 = arith.constant 0 : index
    %get3A_9 = arith.constant 0 : index
    %get3A_10 = vector.load %arg3[%get3A_8, %get3A_9] : memref<64x1024xf32, #tpu.memory_space<vmem>>, vector<64x1024xf32>
    %get3A_11 = arith.constant 0 : index
    %get3A_12 = arith.constant 0 : index
    %get3A_13 = vector.load %arg2[%get3A_11, %get3A_12] : memref<1920x1024xf32, #tpu.memory_space<vmem>>, vector<1920x1024xf32>
    %dot_general3A = arith.constant dense<0.000000e+00> : vector<64x1024xf32>
    %dot_general3A_14 = tpu.matmul %select_n3A, %get3A_13, %dot_general3A {dimension_numbers = #tpu.dot_dimension_numbers<[1], [0], [0], [1], [0, 0, 1, 1], [], []>, transpose_lhs_hint = false} : vector<64x1920xf32>, vector<1920x1024xf32>, vector<64x1024xf32> -> vector<64x1024xf32>
    %add3A_15 = arith.addf %get3A_10, %dot_general3A_14 : vector<64x1024xf32>
    %swap3A = arith.constant 0 : index
    %swap3A_16 = arith.constant 0 : index
    %swap3A_17 = vector.load %arg3[%swap3A, %swap3A_16] : memref<64x1024xf32, #tpu.memory_space<vmem>>, vector<64x1024xf32>
    tpu.vector_store %arg3[%swap3A, %swap3A_16], %add3A_15 {strides = array<i32>} : memref<64x1024xf32, #tpu.memory_space<vmem>>, vector<64x1024xf32>,
    return
  }
  func.func @transform_0(%arg0: i32) -> (i32, i32) {
    %c0_i32 = arith.constant 0 : i32
    %c0_i32_0 = arith.constant 0 : i32
    return %c0_i32, %arg0 : i32, i32
  }
  func.func @transform_1(%arg0: i32) -> (i32, i32) {
    %c0_i32 = arith.constant 0 : i32
    %c0_i32_0 = arith.constant 0 : i32
    return %arg0, %c0_i32 : i32, i32
  }
  func.func @transform_2(%arg0: i32) -> (i32, i32) {
    %c0_i32 = arith.constant 0 : i32
    %c0_i32_0 = arith.constant 0 : i32
    %c0_i32_1 = arith.constant 0 : i32
    return %c0_i32, %c0_i32_0 : i32, i32
  }
}

</mosaic_0001>

<sc_bundles>
// kernel: kernel.6.cloned.1.call-start
scs
__scs_entry_jumppad:
0x0: {  	(pc) =	sbr.rel $0x88, $3  }
0x1: {  	(tag) =	ssettag $0x0;
	lr =	simm.s32 $0x1  }
0x2: {  	[smem:$0x3F9C] =	sst lr;
	_ =	strace $0xD0000000  }
0x3: {  	_ = 	snop  }
0x4: {  	_ = 	snop  }
0x5: {  	_ = 	snop  }
0x6: {  	_ = 	snop  }
0x7: {  	_ = 	snop  }
__scs_overlays_trampoline_lowered:
0x8: {  	[smem:$0x3FAB] =	sst s0  }
0x9: {  	[smem:$0x3FAC] =	sst s1  }
0xa: {  	[smem:$0x3FAD] =	sst s2  }
0xb: {  	[smem:$0x3FAE] =	sst s3  }
0xc: {  	[smem:$0x3FAF] =	sst s4  }
0xd: {  	[smem:$0x3FB0] =	sst s5  }
0xe: {  	[smem:$0x3FB1] =	sst s6  }
0xf: {  	[smem:$0x3FB2] =	sst s7  }
0x10: {  	[smem:$0x3FB3] =	sst s8  }
0x11: {  	[smem:$0x3FB4] =	sst s9;
	s0 =	simm.s32 @!p0 $0x0  }
0x12: {  	s1 =	sld [smem:$0x3F9A];
	s0 =	simm.s32 @p0 $0x1  }
0x13: {  	[smem:$0x3FB5] =	sst s0;
	s0 =	simm.s32 @!p1 $0x0  }
0x14: {  	s2 =	sld [smem:$0x3F99];
	s0 =	simm.s32 @p1 $0x1  }
0x15: {  	[smem:$0x3FB6] =	sst s0;
	s0 =	simm.s32 @!p2 $0x0  }
0x16: {  	s3 =	sld [smem:$0x3FDB];
	s0 =	simm.s32 @p2 $0x1  }
0x17: {  	s4 =	simm.s32 $0x1BF5;
	[smem:$0x3FB8] =	sst s0  }
0x18: {  	s0 =	sld [smem:$0x3F9B];
	_ =	swait.ge [sflag:s4], $0x0  }
0x19: {  	s7 =	sld [smem:$0x3F9C]  }
0x1a: {  	s8 =	sadd.s32 $0xFFFFE003, lr  }
0x1b: {  	s9 =	sadd.s32 $0xFFFFFEF7, lr;
	s5 =	simm.s32 $0xFFFFFFFF;
	p2 =	slt.u32 s8, $0xFFFFF086  }
0x1c: {  	p1 =	slt.u32 s9, $0xF7A;
	s5 =	simm.s32 @!p2 $0x0  }
0x1d: {  	s5 =	simm.s32 @p1 $0x1;
	p0 =	seq.s32 s7, s2  }
0x1e: {  	s7 =	smul.u32 @!p0 $0xF7A, s2;
	p2 =	seq.s32 @!p0 s5, $0x0  }
0x1f: {  	s9 =	smul.u32 $0xF7A, s1;
	s8 =	simm.s32 @!p0 $0x1BF5;
	p2 =	por !p2, p0  }
0x20: {  	[sflag:s8] =	ssyncset.s32 @!p0 $0xFFFFF086;
	s6 =	sadd.s32 @!p0 s3, s7;
	s7 =	simm.s32 @!p0 $0x108  }
0x21: {  	s3 =	sadd.s32 s3, s9;
	s6 =	sadd.s32 @!p0 $0x88, s6;
	s7 =	simm.s32 @p2 $0x1082  }
0x22: {  	[simem:s7], [sflag:s8] =	dma.local @!p0 [hbm:s6], $0xF7A  }
0x23: {  	s9 =	sor.u32 $0xD0000000, s2;
	s6 =	simm.s32 $0x108;
	_ =	swait.ge @!p0 [sflag:s8], $0x0  }
0x24: {  	s3 =	sadd.s32 $0x88, s3;
	s6 =	simm.s32 @!p1 $0x1082;
	[sflag:s4] =	ssyncset.s32 $0xFFFFF086  }
0x25: {  	[simem:s6], [sflag:s4] =	dma.local [hbm:s3], $0xF7A  }
0x26: {  	[smem:$0x3F9C] =	sst s1;
	(tag) =	ssettag s2;
	_ =	strace s9  }
0x27: {  	s1 =	sld [smem:$0x3FAC]  }
0x28: {  	s2 =	sld [smem:$0x3FAD]  }
0x29: {  	s4 =	sld [smem:$0x3FAF]  }
0x2a: {  	p0 =	seq.s32 s5, $0x0;
	s5 =	sld [smem:$0x3FB0]  }
0x2b: {  	s6 =	sld [smem:$0x3FB1]  }
0x2c: {  	s7 =	sld [smem:$0x3FB2]  }
0x2d: {  	s3 =	simm.s32 $0x108;
	s8 =	sld [smem:$0x3FB3]  }
0x2e: {  	s3 =	simm.s32 @!p0 $0x1082;
	s9 =	sld [smem:$0x3FB4]  }
0x2f: {  	lr =	sadd.s32 s0, s3;
	s0 =	sld [smem:$0x3FAB]  }
0x30: {  	s3 =	sld [smem:$0x3FAE]  }
0x31: {  	[smem:$0x3FB7] =	sst s10  }
0x32: {  	s10 =	sld [smem:$0x3FB5];
	_ =	sdelay $0x3  }
0x33: {  	p0 =	seq.s32 s10, $0x1;
	s10 =	sld [smem:$0x3FB7];
	_ =	sdelay $0x3  }
0x34: {  	[smem:$0x3FB7] =	sst s10  }
0x35: {  	s10 =	sld [smem:$0x3FB6];
	_ =	sdelay $0x3  }
0x36: {  	p1 =	seq.s32 s10, $0x1;
	s10 =	sld [smem:$0x3FB7];
	_ =	sdelay $0x3  }
0x37: {  	[smem:$0x3FB7] =	sst s10  }
0x38: {  	s10 =	sld [smem:$0x3FB8]  }
0x39: {  	_ = 	snop;
	(pc) =	sbr.ind lr, $3  }
0x3a: {  	_ = 	snop  }
0x3b: {  	_ = 	snop  }
0x3c: {  	p2 =	seq.s32 s10, $0x1;
	s10 =	sld [smem:$0x3FB7]  }
0x3d: {  	_ =	shalt  }
0x3e: {  	_ =	shalt  }
0x3f: {  	_ =	shalt  }
0x40: {  	_ =	shalt  }
0x41: {  	_ =	shalt  }
0x42: {  	_ =	shalt  }
0x43: {  	_ =	shalt  }
0x44: {  	_ =	shalt  }
0x45: {  	_ =	shalt  }
0x46: {  	_ =	shalt  }
0x47: {  	_ =	shalt  }
0x48: {  	_ =	shalt  }
0x49: {  	_ =	shalt  }
0x4a: {  	_ =	shalt  }
0x4b: {  	_ =	shalt  }
0x4c: {  	_ =	shalt  }
0x4d: {  	_ =	shalt  }
0x4e: {  	_ =	shalt  }
0x4f: {  	_ =	shalt  }
0x50: {  	_ =	shalt  }
0x51: {  	_ =	shalt  }
0x52: {  	_ =	shalt  }
0x53: {  	_ =	shalt  }
0x54: {  	_ =	shalt  }
0x55: {  	_ =	shalt  }
0x56: {  	_ =	shalt  }
0x57: {  	_ =	shalt  }
0x58: {  	_ =	shalt  }
0x59: {  	_ =	shalt  }
0x5a: {  	_ =	shalt  }
0x5b: {  	_ =	shalt  }
0x5c: {  	_ =	shalt  }
0x5d: {  	_ =	shalt  }
0x5e: {  	_ =	shalt  }
0x5f: {  	_ =	shalt  }
0x60: {  	_ =	shalt  }
0x61: {  	_ =	shalt  }
0x62: {  	_ =	shalt  }
0x63: {  	_ =	shalt  }
0x64: {  	_ =	shalt  }
0x65: {  	_ =	shalt  }
0x66: {  	_ =	shalt  }
0x67: {  	_ =	shalt  }
0x68: {  	_ =	shalt  }
0x69: {  	_ =	shalt  }
0x6a: {  	_ =	shalt  }
0x6b: {  	_ =	shalt  }
0x6c: {  	_ =	shalt  }
0x6d: {  	_ =	shalt  }
0x6e: {  	_ =	shalt  }
0x6f: {  	_ =	shalt  }
0x70: {  	_ =	shalt  }
0x71: {  	_ =	shalt  }
0x72: {  	_ =	shalt  }
0x73: {  	_ =	shalt  }
0x74: {  	_ =	shalt  }
0x75: {  	_ =	shalt  }
0x76: {  	_ =	shalt  }
0x77: {  	_ =	shalt  }
0x78: {  	_ =	shalt  }
0x79: {  	_ =	shalt  }
0x7a: {  	_ =	shalt  }
0x7b: {  	_ =	shalt  }
0x7c: {  	_ =	shalt  }
0x7d: {  	_ =	shalt  }
0x7e: {  	_ =	shalt  }
0x7f: {  	_ =	shalt  }
0x80: {  	_ =	shalt  }
0x81: {  	_ =	shalt  }
0x82: {  	_ =	shalt  }
0x83: {  	_ =	shalt  }
0x84: {  	_ =	shalt  }
0x85: {  	_ =	shalt  }
0x86: {  	_ =	shalt  }
0x87: {  	_ =	shalt  }
.Lfunc_end0:
.L_simem_size_0:
called_computation_lowered:
.L_overlay_start_0:
0x88: {  	s2 =	sld [smem:$0x3FD9]  }
0x89: {  	s3 =	sld [smem:$0x3FFE];
	_ =	sdelay $0x1  }
0x8a: {  	s1 =	srdreg.scid  }
0x8b: {  	s0 =	sand.u32 $0x1, s1  }
0x8c: {  	s14 =	sshll.u32 s0, $0xA;
	s2 =	sadd.s32 s3, s2  }
0x8d: {  	s2 =	sadd.s32 s2, s14  }
0x8e: {  	[smem:$0x3FC3] =	sst s2  }
0x8f: {  	_ = 	snop  }
0x90: {  	s2 =	sld [smem:$0x3FD0];
	_ =	sdelay $0x2  }
0x91: {  	s15 =	simm.s32 $0xA;
	s4 =	simm.s32 $0x10  }
0x92: {  	[smem:s4], [sflag:s15] =	dma.local [hbm:s2], $0x1  }
0x93: {  	_ =	swait.eq [sflag:s15], $0x1  }
0x94: {  	[sflag:s15] =	ssyncset.done $0x0  }
0x95: {  	[sflag:s15] =	ssyncadd.s32 $0xFFFFFFFF  }
0x96: {  	s16 =	sld [smem:$0x10];
	(tm) =	ssettm $0x1  }
0x97: {  	s17 =	sld [smem:$0x3FFB];
	_ =	sdelay $0x3  }
0x98: {  	_ =	strace s17  }
0x99: {  	s3 =	sld [smem:$0x3FFC];
	_ =	sdelay $0x3  }
0x9a: {  	_ =	strace s3  }
0x9b: {  	s3 =	sld [smem:$0x3FFD];
	_ =	sdelay $0x3  }
0x9c: {  	_ =	strace s3  }
0x9d: {  	_ =	strace $0x8FFFFFFF  }
0x9e: {  	s18 =	sld [smem:$0x3FDB];
	_ =	sdelay $0x1  }
0x9f: {  	s19 =	simm.s32 $_scs_section_size  }
0xa0: {  	s5 =	simm.s32 $_size__tile_overlayer_lowered;
	s6 =	simm.s32 $_tile_overlayer_lowered  }
0xa1: {  	s22 =	simm.s32 $0x1BFF;
	s21 =	sshll.u32 s6, $0x1;
	s3 =	sadd.s32 s19, s18  }
0xa2: {  	s7 =	simm.s32 $0x0;
	s20 =	sshll.u32 s5, $0x1;
	s5 =	sadd.s32 s21, s3  }
0xa3: {  	[timem:s7], [sflag:s22] =	dma.local [hbm:s5], s20  }
0xa4: {  	_ =	swait.ge [sflag:s22], s20  }
0xa5: {  	s4 =	ssub.s32 $0x0, s20;
	[sflag:s22] =	ssyncset.done $0x0  }
0xa6: {  	[sflag:s22] =	ssyncadd.s32 s4;
	_ =	sdelay $0x1  }
0xa7: {  	s23 =	simm.s32 $0x1B8B  }
0xa8: {  	_ =	swait.ge [sflag:s23], $0x1  }
0xa9: {  	[sflag:s23] =	ssyncset.done $0x0  }
0xaa: {  	s25 =	simm.s32 $0x1B8E;
	s24 =	sld [smem:$0x3FFE];
	[sflag:s23] =	ssyncadd.s32 $0xFFFFFFFF  }
0xab: {  	s26 =	simm.s32 $execute0_lowered;
	[smem:$0x3FD2] =	sst s25  }
0xac: {  	s5 =	sshll.u32 s26, $0x1;
	_ =	strace $0x80000046;
	[dreg:$0x1] =	wrdreg $0xFFFFFFFF  }
0xad: {  	s28 =	simm.s32 $_size_execute0_lowered;
	s3 =	sadd.s32 s3, s5;
	[dreg:$0x0] =	wrdreg $0x0  }
0xae: {  	s5 =	sshll.u32 s28, $0x1;
	[dreg:$0x2] =	wrdreg s3  }
0xaf: {  	[dreg:$0x3] =	wrdreg s5  }
0xb0: {  	[dreg:$0x4] =	wrdreg $0xC0  }
0xb1: {  	_ =	task [dreg:s7], $0x5FFFF  }
0xb2: {  	[dreg:$0x1] =	wrdreg $0xFFFFFFFF  }
0xb3: {  	[dreg:$0x0] =	wrdreg $0x60  }
0xb4: {  	[dreg:$0x2] =	wrdreg s24  }
0xb5: {  	[dreg:$0x3] =	wrdreg s16  }
0xb6: {  	[dreg:$0x4] =	wrdreg $0x0  }
0xb7: {  	[dreg:$0x5] =	wrdreg $0x9  }
0xb8: {  	_ =	task.clear_ibuf [dreg:s7], $0x6FFFF;
	_ =	strace $0x90000046  }
0xb9: {  	s29 =	simm.s32 $0x9;
	_ =	strace $0x80000048  }
0xba: {  	_ =	swait.ge [sflag:s29], $0x1  }
0xbb: {  	[sflag:s29] =	ssyncadd.s32 $0xFFFFFFFF  }
0xbc: {  	_ =	strace $0x90000048  }
0xbd: {  	_ =	sfence  }
0xbe: {  	s30 =	sld [smem:$0x0];
	_ =	sdelay $0x2  }
0xbf: {  	s31 =	sshll.u32 s1, $0xD;
	s1 =	sshrl.u32 s1, $0x2  }
0xc0: {  	s3 =	sand.u32 $0x4000, s31;
	s1 =	sadd.s32 s1, s30  }
0xc1: {  	s0 =	sor.u32 s3, s0;
	s1 =	sshll.u32 s1, $0x11  }
0xc2: {  	s0 =	sor.u32 s1, s0  }
0xc3: {  	s0 =	sadd.s32 $0x8F2B, s0  }
0xc4: {  	[sflag:s0] =	ssyncadd.remote.s32 $0x1  }
0xc5: {  	_ =	sfence.sel $0xFFFF  }
0xc6: {  	[dreg:$0x0] =	wrdreg $0xFFFFFFFF;
	(pc) =	sbr.abs _section_cstart, $3  }
0xc7: {  	[dreg:$0x1] =	wrdreg $0xFFFFFFFF  }
0xc8: {  	_ =	task.clear_ibuf [dreg:s7], $0x2FFFF;
	_ =	strace $0x9FFFFFFF  }
0xc9: {  	(tm) =	ssettm $0x7FFFFFFF  }
tec
execute0_lowered:
.L_overlay_start_1:
0x0: {  	(tag) =	ssettag $0x1  }
0x1: {  	s1 =	rddreg [dreg:$0x0]  }
0x2: {  	s0 =	rddreg [dreg:$0x1]  }
0x3: {  	s2 =	rddreg [dreg:$0x2];
	s3 =	simm.s32 $0x0  }
0x4: {  	s10 =	simm.s32 $0x1C680;
	[smem:$0x7FF] =	sst s3  }
0x5: {  	s12 =	simm.s32 $0x1DA80;
	_ =	strace $0x80000047;
	[dreg:$0x7] =	wrdreg s10  }
0x6: {  	s13 =	simm.s32 $0x1C780;
	[dreg:$0x8] =	wrdreg s12  }
0x7: {  	s14 =	simm.s32 $0x1DB80;
	[dreg:$0x9] =	wrdreg s13  }
0x8: {  	s15 =	simm.s32 $0x1C880;
	[dreg:$0xa] =	wrdreg s14  }
0x9: {  	s17 =	simm.s32 $0x1DC80;
	[dreg:$0xb] =	wrdreg s15  }
0xa: {  	s18 =	simm.s32 $0x1C980;
	[dreg:$0xc] =	wrdreg s17  }
0xb: {  	s20 =	simm.s32 $0x1DD80;
	[dreg:$0xd] =	wrdreg s18  }
0xc: {  	s21 =	simm.s32 $0x1CA80;
	[dreg:$0xe] =	wrdreg s20  }
0xd: {  	s22 =	simm.s32 $0x1DE80;
	[dreg:$0xf] =	wrdreg s21  }
0xe: {  	s11 =	stileid.u32;
	s24 =	simm.s32 $0x1CB80;
	[dreg:$0x10] =	wrdreg s22  }
0xf: {  	s25 =	simm.s32 $0x1DF80;
	s7 =	smul.u32 $0xC8, s11;
	[dreg:$0x11] =	wrdreg s24  }
0x10: {  	[dreg:$0x12] =	wrdreg s25  }
0x11: {  	s12 =	simm.s32 $0x1CD80;
	[dreg:$0x4] =	wrdreg s7  }
0x12: {  	s13 =	simm.s32 $0x1E180;
	[dreg:$0x15] =	wrdreg s12  }
0x13: {  	s15 =	simm.s32 $0x1CE80;
	[dreg:$0x16] =	wrdreg s13  }
0x14: {  	s17 =	simm.s32 $0x1D080;
	[dreg:$0x17] =	wrdreg s15  }
0x15: {  	s18 =	simm.s32 $0x1E480;
	[dreg:$0x19] =	wrdreg s17  }
0x16: {  	s20 =	simm.s32 $0x1D180;
	[dreg:$0x1a] =	wrdreg s18  }
0x17: {  	s21 =	simm.s32 $0x1E580;
	[dreg:$0x1b] =	wrdreg s20  }
0x18: {  	s6 =	smul.u32 $0x1900, s11;
	s22 =	simm.s32 $0x1D280;
	[dreg:$0x1c] =	wrdreg s21  }
0x19: {  	s4 =	sadd.s32 $0x19E00, s1;
	s25 =	simm.s32 $0x1D380;
	[dreg:$0x1d] =	wrdreg s22  }
0x1a: {  	s5 =	sadd.s32 $0xE00, s1;
	s8 =	sadd.s32 s4, s6;
	[dreg:$0x1f] =	wrdreg s25  }
0x1b: {  	s16 =	srdreg.scid;
	s26 =	sadd.s32 s5, s6;
	[smem:$0x7E6] =	sst s8  }
0x1c: {  	s7 =	sand.u32 $0x1, s16;
	s16 =	simm.s32 $0x1E280;
	[smem:$0x7E7] =	sst s26  }
0x1d: {  	s13 =	simm.s32 $0x1E880;
	[dreg:$0x18] =	wrdreg s16  }
0x1e: {  	s15 =	simm.s32 $0x1D580;
	[smem:$0x7F1] =	sst s13  }
0x1f: {  	s28 =	simm.s32 $0x18700;
	s17 =	simm.s32 $0x1E980;
	[smem:$0x7F3] =	sst s15  }
0x20: {  	s10 =	smul.u32 $0x61C00, s11;
	s21 =	simm.s32 $0x1EA80;
	[smem:$0x7F5] =	sst s17  }
0x21: {  	s11 =	smul.u32 $0x18700, s11;
	s25 =	simm.s32 $0x1EB80;
	[smem:$0x7F9] =	sst s21  }
0x22: {  	s8 =	sadd.s32 $0x140, s8;
	s9 =	sadd.s32 $0x140, s26;
	[smem:$0x7FD] =	sst s25  }
0x23: {  	s19 =	smul.u32 $0x30E000, s7;
	s23 =	ssub.s32 $0x2, s7;
	[dreg:$0x5] =	wrdreg s8  }
0x24: {  	s26 =	simm.s32 $0x1CC80;
	s10 =	sshrl.u32 s10, $0x2;
	[dreg:$0x6] =	wrdreg s9  }
0x25: {  	s7 =	smul.u32 $0x187000, s7;
	s9 =	sshrl.u32 s23, $0x1;
	[dreg:$0x13] =	wrdreg s26  }
0x26: {  	s8 =	simm.s32 $0x1E080;
	s1 =	sadd.s32 s19, s1;
	s9 =	ssub.s32 s23, s9  }
0x27: {  	[dreg:$0x14] =	wrdreg s8;
	s8 =	sadd.s32 s10, s2;
	s23 =	simm.s32 $0x1E680  }
0x28: {  	s19 =	sadd.s32 s11, s7;
	s7 =	simm.s32 $0x1E780;
	[dreg:$0x1e] =	wrdreg s23  }
0x29: {  	s29 =	simm.s32 $0x7;
	s14 =	sadd.s32 $0x17700, s8;
	[smem:$0x7ED] =	sst s7  }
0x2a: {  	s30 =	simm.s32 $0x5;
	s24 =	smax.u32 s9, $0x1;
	[smem:$0x7E8] =	sst s14  }
0x2b: {  	s31 =	simm.s32 $0xFA;
	s26 =	sadd.s32 $0x1F40, s8;
	[smem:$0x7EA] =	sst s24  }
0x2c: {  	s13 =	simm.s32 $0x6;
	s9 =	sadd.s32 $0x3E80, s8;
	[smem:$0x7EB] =	sst s26  }
0x2d: {  	s10 =	sadd.s32 $0x32E00, s1;
	s12 =	sadd.s32 $0x5DC0, s8;
	[smem:$0x7EC] =	sst s9  }
0x2e: {  	s1 =	sadd.s32 s11, s2;
	s11 =	simm.s32 $0x1D480;
	[smem:$0x7EE] =	sst s12  }
0x2f: {  	s15 =	simm.s32 $0x1EC80;
	s16 =	sadd.s32 $0x9C40, s8;
	[smem:$0x7EF] =	sst s11  }
0x30: {  	s6 =	sshrl.u32 s19, $0x3;
	s18 =	sadd.s32 $0xBB80, s8;
	[smem:$0x7F2] =	sst s16  }
0x31: {  	s19 =	simm.s32 $0x1D680;
	s20 =	sadd.s32 $0xDAC0, s8;
	[smem:$0x7F4] =	sst s18  }
0x32: {  	s22 =	sadd.s32 $0xFA00, s8;
	s23 =	simm.s32 $0x1D780;
	[smem:$0x7F6] =	sst s20  }
0x33: {  	s7 =	simm.s32 $0x1;
	s0 =	sadd.s32 s0, s6;
	[smem:$0x7F7] =	sst s19  }
0x34: {  	s14 =	sadd.s32 $0x7D00, s8;
	[smem:$0x7F8] =	sst s22;
	s24 =	sadd.s32 $0x11940, s8  }
0x35: {  	[smem:$0x7FB] =	sst s23;
	s26 =	sadd.s32 $0x13880, s8;
	s23 =	sadd.s32 $0x157C0, s8  }
0x36: {  	s25 =	sshrl.u32 s1, $0x3;
	s1 =	simm.s32 $0x1CF80;
	[smem:$0x7E9] =	sst s0  }
0x37: {  	s6 =	simm.s32 $0x1E380;
	s9 =	simm.s32 $0x4;
	[smem:$0x7F0] =	sst s14  }
0x38: {  	s11 =	simm.s32 $0x2;
	s12 =	simm.s32 $0x3;
	[smem:$0x7FA] =	sst s24  }
0x39: {  	s16 =	simm.s32 $0x0;
	[smem:$0x7FC] =	sst s26;
	s24 =	simm.s32 $0x1C580  }
0x3a: {  	v0 =	vimm.f32 $0.0e+00;
	s26 =	simm.s32 $0x1D980;
	s0 =	simm.s32 $0x1A640;
	s14 =	simm.s32 $0x1D880  }
.LBB2_1:
0x3b: {  	s17 =	sld [smem:$0x7E7];
	_ =	sdelay $0x1  }
0x3c: {  	s22 =	sld [smem:$0x7E6]  }
0x3d: {  	[tilespmem:s24], [sflag:$0x5] =	stream.linear.gather [hbm4b:s17+s3], $0xA00, $0x38;
	[tilespmem:$0x1ED80] =	vst v63  }
0x3e: {  	s18 =	simm.s32 $0x80;
	s17 =	simm.s32 $0x0  }
0x3f: {  	[tilespmem:s26], [sflag:$0x5] =	stream.linear.gather [hbm4b:s22+s3], $0xA00, $0x38;
	[tilespmem:$0x1ED80] =	vst v63  }
.LBB2_2:
0x40: {  	p0 =	sne.s32 s18, $0x7C80;
	[tilespmem:s17+$0x1A650] =	vst v0;
	s19 =	smov.u32 s18;
	s18 =	sadd.s32 $0x80, s18  }
.Ltmp0:
0x41: {  	[tilespmem:s17+$0x1A640] =	vst v0;
	(pc) =	sbr.rel @p0 .LBB2_2-.Ltmp0, $3  }
0x42: {  	[tilespmem:s17+$0x18700] =	vst v0  }
0x43: {  	[tilespmem:s17+$0x18710] =	vst v0;
	_ =	sdelay $0x1  }
0x44: {  	s17 =	sshra.s32 s19, $0x2  }
0x45: {  	[tilespmem:s17+$0x1A650] =	vst v0  }
0x46: {  	[tilespmem:s17+$0x1A640] =	vst v0  }
0x47: {  	[tilespmem:s17+$0x18700] =	vst v0  }
0x48: {  	[tilespmem:s17+$0x18710] =	vst v0  }
0x49: {  	[spmem:s8] =	stream.linear.scatter [tilespmem:s28], [sflag:$0x7], $0x1F40, $0x38;
	[tilespmem:$0x1ED80] =	vst v63  }
0x4a: {  	_ =	swait.ge [sflag:s29], $0x1F40  }
0x4b: {  	s19 =	sld [smem:$0x7EB]  }
0x4c: {  	[sflag:s29] =	ssyncset.done $0x0  }
0x4d: {  	[sflag:s29] =	ssyncadd.s32 $0xFFFFE0C0  }
0x4e: {  	[spmem:s19] =	stream.linear.scatter [tilespmem:s28], [sflag:$0x7], $0x1F40, $0x38;
	[tilespmem:$0x1ED80] =	vst v63  }
0x4f: {  	_ =	swait.ge [sflag:s29], $0x1F40  }
0x50: {  	s20 =	sld [smem:$0x7EC]  }
0x51: {  	[sflag:s29] =	ssyncset.done $0x0  }
0x52: {  	[sflag:s29] =	ssyncadd.s32 $0xFFFFE0C0  }
0x53: {  	[spmem:s20] =	stream.linear.scatter [tilespmem:s28], [sflag:$0x7], $0x1F40, $0x38;
	[tilespmem:$0x1ED80] =	vst v63  }
0x54: {  	_ =	swait.ge [sflag:s29], $0x1F40  }
0x55: {  	s21 =	sld [smem:$0x7EE]  }
0x56: {  	[sflag:s29] =	ssyncset.done $0x0  }
0x57: {  	[sflag:s29] =	ssyncadd.s32 $0xFFFFE0C0  }
0x58: {  	[spmem:s21] =	stream.linear.scatter [tilespmem:s28], [sflag:$0x7], $0x1F40, $0x38;
	[tilespmem:$0x1ED80] =	vst v63  }
0x59: {  	_ =	swait.ge [sflag:s29], $0x1F40  }
0x5a: {  	s22 =	sld [smem:$0x7F0]  }
0x5b: {  	[sflag:s29] =	ssyncset.done $0x0  }
0x5c: {  	[sflag:s29] =	ssyncadd.s32 $0xFFFFE0C0  }
0x5d: {  	[spmem:s22] =	stream.linear.scatter [tilespmem:s28], [sflag:$0x7], $0x1F40, $0x38;
	[tilespmem:$0x1ED80] =	vst v63  }
0x5e: {  	_ =	swait.ge [sflag:s29], $0x1F40  }
0x5f: {  	s18 =	sld [smem:$0x7F2]  }
0x60: {  	[sflag:s29] =	ssyncset.done $0x0  }
0x61: {  	[sflag:s29] =	ssyncadd.s32 $0xFFFFE0C0  }
0x62: {  	[spmem:s18] =	stream.linear.scatter [tilespmem:s28], [sflag:$0x7], $0x1F40, $0x38;
	[tilespmem:$0x1ED80] =	vst v63  }
0x63: {  	_ =	swait.ge [sflag:s29], $0x1F40  }
0x64: {  	s19 =	sld [smem:$0x7F4]  }
0x65: {  	[sflag:s29] =	ssyncset.done $0x0  }
0x66: {  	[sflag:s29] =	ssyncadd.s32 $0xFFFFE0C0  }
0x67: {  	[spmem:s19] =	stream.linear.scatter [tilespmem:s28], [sflag:$0x7], $0x1F40, $0x38;
	[tilespmem:$0x1ED80] =	vst v63  }
0x68: {  	_ =	swait.ge [sflag:s29], $0x1F40  }
0x69: {  	s20 =	sld [smem:$0x7F6]  }
0x6a: {  	[sflag:s29] =	ssyncset.done $0x0  }
0x6b: {  	[sflag:s29] =	ssyncadd.s32 $0xFFFFE0C0  }
0x6c: {  	[spmem:s20] =	stream.linear.scatter [tilespmem:s28], [sflag:$0x7], $0x1F40, $0x38;
	[tilespmem:$0x1ED80] =	vst v63  }
0x6d: {  	_ =	swait.ge [sflag:s29], $0x1F40  }
0x6e: {  	s21 =	sld [smem:$0x7F8]  }
0x6f: {  	[sflag:s29] =	ssyncset.done $0x0  }
0x70: {  	[sflag:s29] =	ssyncadd.s32 $0xFFFFE0C0  }
0x71: {  	[spmem:s21] =	stream.linear.scatter [tilespmem:s28], [sflag:$0x7], $0x1F40, $0x38;
	[tilespmem:$0x1ED80] =	vst v63  }
0x72: {  	_ =	swait.ge [sflag:s29], $0x1F40  }
0x73: {  	s22 =	sld [smem:$0x7FA]  }
0x74: {  	[sflag:s29] =	ssyncset.done $0x0  }
0x75: {  	[sflag:s29] =	ssyncadd.s32 $0xFFFFE0C0  }
0x76: {  	[spmem:s22] =	stream.linear.scatter [tilespmem:s28], [sflag:$0x7], $0x1F40, $0x38;
	[tilespmem:$0x1ED80] =	vst v63  }
0x77: {  	_ =	swait.ge [sflag:s29], $0x1F40  }
0x78: {  	s18 =	sld [smem:$0x7FC]  }
0x79: {  	[sflag:s29] =	ssyncset.done $0x0  }
0x7a: {  	[sflag:s29] =	ssyncadd.s32 $0xFFFFE0C0  }
0x7b: {  	[spmem:s18] =	stream.linear.scatter [tilespmem:s28], [sflag:$0x7], $0x1F40, $0x38;
	[tilespmem:$0x1ED80] =	vst v63  }
0x7c: {  	_ =	swait.ge [sflag:s29], $0x1F40  }
0x7d: {  	[sflag:s29] =	ssyncset.done $0x0  }
0x7e: {  	[sflag:s29] =	ssyncadd.s32 $0xFFFFE0C0  }
0x7f: {  	[spmem:s23] =	stream.linear.scatter [tilespmem:s28], [sflag:$0x7], $0x1F40, $0x38;
	[tilespmem:$0x1ED80] =	vst v63  }
0x80: {  	_ =	swait.ge [sflag:s29], $0x1F40  }
0x81: {  	s19 =	sld [smem:$0x7E8]  }
0x82: {  	[sflag:s29] =	ssyncset.done $0x0  }
0x83: {  	[sflag:s29] =	ssyncadd.s32 $0xFFFFE0C0  }
0x84: {  	[spmem:s19] =	stream.linear.scatter [tilespmem:s28], [sflag:$0x7], $0x1000, $0x38;
	[tilespmem:$0x1ED80] =	vst v63  }
0x85: {  	_ =	swait.ge [sflag:s29], $0x1000  }
0x86: {  	[sflag:s29] =	ssyncset.done $0x0  }
0x87: {  	[sflag:s29] =	ssyncadd.s32 $0xFFFFF000  }
0x88: {  	_ =	swait.ge [sflag:s30], $0xA00  }
0x89: {  	[sflag:s30] =	ssyncset.done $0x0  }
0x8a: {  	[sflag:s30] =	ssyncadd.s32 $0xFFFFF600  }
0x8b: {  	_ =	swait.ge [sflag:s30], $0xA00  }
0x8c: {  	[sflag:s30] =	ssyncset.done $0x0  }
0x8d: {  	[sflag:s30] =	ssyncadd.s32 $0xFFFFF600  }
0x8e: {  	[bflag:$0x0] =	sbarrier.arrive $0xFFFF  }
0x8f: {  	[tilespmem:s28], [sflag:$0x1] =	stream.indirect.gather [hbm4b:s10+s31], $0x20, s24, s31, $0xb8;
	[tilespmem:$0x1ED80] =	vst v63  }
0x90: {  	s20 =	rddreg [dreg:$0x6]  }
0x91: {  	[spmem:s2] =	stream.indirect.scatter.add.f32 [tilespmem:s0], [sflag:$0x4], $0x20, s26, s31, $0xb8;
	[tilespmem:$0x1ED80] =	vst v63  }
0x92: {  	s18 =	rddreg [dreg:$0x5];
	s17 =	sadd.s32 $0x0, s20  }
0x93: {  	[tilespmem:s1], [sflag:$0x6] =	stream.linear.gather [hbm4b:s17+s3], $0xA00, $0x38;
	[tilespmem:$0x1ED80] =	vst v63  }
0x94: {  	s21 =	sadd.s32 $0x0, s18  }
0x95: {  	[tilespmem:s6], [sflag:$0x6] =	stream.linear.gather [hbm4b:s21+s3], $0xA00, $0x38;
	[tilespmem:$0x1ED80] =	vst v63  }
0x96: {  	_ =	swait.ge [sflag:s7], $0x1F40  }
0x97: {  	[sflag:s7] =	ssyncset.done $0x0  }
0x98: {  	[sflag:s7] =	ssyncadd.s32 $0xFFFFE0C0  }
0x99: {  	[spmem:s2] =	stream.indirect.scatter.add.f32 [tilespmem:s28], [sflag:$0x3], $0x20, s26, s31, $0xb8;
	[tilespmem:$0x1ED80] =	vst v63  }
0x9a: {  	_ =	swait.ge [sflag:s9], $0x1F40  }
0x9b: {  	[sflag:s9] =	ssyncset.done $0x0  }
0x9c: {  	s22 =	rddreg [dreg:$0x7];
	[sflag:s9] =	ssyncadd.s32 $0xFFFFE0C0  }
0x9d: {  	[tilespmem:s0], [sflag:$0x2] =	stream.indirect.gather [hbm4b:s10+s31], $0x20, s22, s31, $0xb8;
	[tilespmem:$0x1ED80] =	vst v63  }
0x9e: {  	_ =	swait.ge [sflag:s11], $0x1F40  }
0x9f: {  	[sflag:s11] =	ssyncset.done $0x0  }
0xa0: {  	s18 =	rddreg [dreg:$0x8];
	[sflag:s11] =	ssyncadd.s32 $0xFFFFE0C0  }
0xa1: {  	[spmem:s2] =	stream.indirect.scatter.add.f32 [tilespmem:s0], [sflag:$0x4], $0x20, s18, s31, $0xb8;
	[tilespmem:$0x1ED80] =	vst v63  }
0xa2: {  	_ =	swait.ge [sflag:s12], $0x1F40  }
0xa3: {  	[sflag:s12] =	ssyncset.done $0x0  }
0xa4: {  	s19 =	rddreg [dreg:$0x9];
	[sflag:s12] =	ssyncadd.s32 $0xFFFFE0C0  }
0xa5: {  	[tilespmem:s28], [sflag:$0x1] =	stream.indirect.gather [hbm4b:s10+s31], $0x20, s19, s31, $0xb8;
	[tilespmem:$0x1ED80] =	vst v63  }
0xa6: {  	_ =	swait.ge [sflag:s7], $0x1F40  }
0xa7: {  	[sflag:s7] =	ssyncset.done $0x0  }
0xa8: {  	s20 =	rddreg [dreg:$0xa];
	[sflag:s7] =	ssyncadd.s32 $0xFFFFE0C0  }
0xa9: {  	[spmem:s2] =	stream.indirect.scatter.add.f32 [tilespmem:s28], [sflag:$0x3], $0x20, s20, s31, $0xb8;
	[tilespmem:$0x1ED80] =	vst v63  }
0xaa: {  	_ =	swait.ge [sflag:s9], $0x1F40  }
0xab: {  	[sflag:s9] =	ssyncset.done $0x0  }
0xac: {  	s21 =	rddreg [dreg:$0xb];
	[sflag:s9] =	ssyncadd.s32 $0xFFFFE0C0  }
0xad: {  	[tilespmem:s0], [sflag:$0x2] =	stream.indirect.gather [hbm4b:s10+s31], $0x20, s21, s31, $0xb8;
	[tilespmem:$0x1ED80] =	vst v63  }
0xae: {  	_ =	swait.ge [sflag:s11], $0x1F40  }
0xaf: {  	[sflag:s11] =	ssyncset.done $0x0  }
0xb0: {  	s22 =	rddreg [dreg:$0xc];
	[sflag:s11] =	ssyncadd.s32 $0xFFFFE0C0  }
0xb1: {  	[spmem:s2] =	stream.indirect.scatter.add.f32 [tilespmem:s0], [sflag:$0x4], $0x20, s22, s31, $0xb8;
	[tilespmem:$0x1ED80] =	vst v63  }
0xb2: {  	_ =	swait.ge [sflag:s12], $0x1F40  }
0xb3: {  	[sflag:s12] =	ssyncset.done $0x0  }
0xb4: {  	s18 =	rddreg [dreg:$0xd];
	[sflag:s12] =	ssyncadd.s32 $0xFFFFE0C0  }
0xb5: {  	[tilespmem:s28], [sflag:$0x1] =	stream.indirect.gather [hbm4b:s10+s31], $0x20, s18, s31, $0xb8;
	[tilespmem:$0x1ED80] =	vst v63  }
0xb6: {  	_ =	swait.ge [sflag:s7], $0x1F40  }
0xb7: {  	[sflag:s7] =	ssyncset.done $0x0  }
0xb8: {  	s19 =	rddreg [dreg:$0xe];
	[sflag:s7] =	ssyncadd.s32 $0xFFFFE0C0  }
0xb9: {  	[spmem:s2] =	stream.indirect.scatter.add.f32 [tilespmem:s28], [sflag:$0x3], $0x20, s19, s31, $0xb8;
	[tilespmem:$0x1ED80] =	vst v63  }
0xba: {  	_ =	swait.ge [sflag:s9], $0x1F40  }
0xbb: {  	[sflag:s9] =	ssyncset.done $0x0  }
0xbc: {  	s20 =	rddreg [dreg:$0xf];
	[sflag:s9] =	ssyncadd.s32 $0xFFFFE0C0  }
0xbd: {  	[tilespmem:s0], [sflag:$0x2] =	stream.indirect.gather [hbm4b:s10+s31], $0x20, s20, s31, $0xb8;
	[tilespmem:$0x1ED80] =	vst v63  }
0xbe: {  	_ =	swait.ge [sflag:s11], $0x1F40  }
0xbf: {  	[sflag:s11] =	ssyncset.done $0x0  }
0xc0: {  	s21 =	rddreg [dreg:$0x10];
	[sflag:s11] =	ssyncadd.s32 $0xFFFFE0C0  }
0xc1: {  	[spmem:s2] =	stream.indirect.scatter.add.f32 [tilespmem:s0], [sflag:$0x4], $0x20, s21, s31, $0xb8;
	[tilespmem:$0x1ED80] =	vst v63  }
0xc2: {  	_ =	swait.ge [sflag:s12], $0x1F40  }
0xc3: {  	[sflag:s12] =	ssyncset.done $0x0  }
0xc4: {  	s22 =	rddreg [dreg:$0x11];
	[sflag:s12] =	ssyncadd.s32 $0xFFFFE0C0  }
0xc5: {  	[tilespmem:s28], [sflag:$0x1] =	stream.indirect.gather [hbm4b:s10+s31], $0x20, s22, s31, $0xb8;
	[tilespmem:$0x1ED80] =	vst v63  }
0xc6: {  	_ =	swait.ge [sflag:s7], $0x1F40  }
0xc7: {  	[sflag:s7] =	ssyncset.done $0x0  }
0xc8: {  	s18 =	rddreg [dreg:$0x12];
	[sflag:s7] =	ssyncadd.s32 $0xFFFFE0C0  }
0xc9: {  	[spmem:s2] =	stream.indirect.scatter.add.f32 [tilespmem:s28], [sflag:$0x3], $0x20, s18, s31, $0xb8;
	[tilespmem:$0x1ED80] =	vst v63  }
0xca: {  	_ =	swait.ge [sflag:s9], $0x1F40  }
0xcb: {  	[sflag:s9] =	ssyncset.done $0x0  }
0xcc: {  	s19 =	rddreg [dreg:$0x13];
	[sflag:s9] =	ssyncadd.s32 $0xFFFFE0C0  }
0xcd: {  	[tilespmem:s0], [sflag:$0x2] =	stream.indirect.gather [hbm4b:s10+s31], $0x20, s19, s31, $0xb8;
	[tilespmem:$0x1ED80] =	vst v63  }
0xce: {  	_ =	swait.ge [sflag:s11], $0x1F40  }
0xcf: {  	[sflag:s11] =	ssyncset.done $0x0  }
0xd0: {  	s20 =	rddreg [dreg:$0x14];
	[sflag:s11] =	ssyncadd.s32 $0xFFFFE0C0  }
0xd1: {  	[spmem:s2] =	stream.indirect.scatter.add.f32 [tilespmem:s0], [sflag:$0x4], $0x20, s20, s31, $0xb8;
	[tilespmem:$0x1ED80] =	vst v63  }
0xd2: {  	_ =	swait.ge [sflag:s12], $0x1F40  }
0xd3: {  	[sflag:s12] =	ssyncset.done $0x0  }
0xd4: {  	s21 =	rddreg [dreg:$0x15];
	[sflag:s12] =	ssyncadd.s32 $0xFFFFE0C0  }
0xd5: {  	[tilespmem:s28], [sflag:$0x1] =	stream.indirect.gather [hbm4b:s10+s31], $0x20, s21, s31, $0xb8;
	[tilespmem:$0x1ED80] =	vst v63  }
0xd6: {  	_ =	swait.ge [sflag:s7], $0x1F40  }
0xd7: {  	[sflag:s7] =	ssyncset.done $0x0  }
0xd8: {  	s22 =	rddreg [dreg:$0x16];
	[sflag:s7] =	ssyncadd.s32 $0xFFFFE0C0  }
0xd9: {  	[spmem:s2] =	stream.indirect.scatter.add.f32 [tilespmem:s28], [sflag:$0x3], $0x20, s22, s31, $0xb8;
	[tilespmem:$0x1ED80] =	vst v63  }
0xda: {  	_ =	swait.ge [sflag:s9], $0x1F40  }
0xdb: {  	[sflag:s9] =	ssyncset.done $0x0  }
0xdc: {  	s18 =	rddreg [dreg:$0x17];
	[sflag:s9] =	ssyncadd.s32 $0xFFFFE0C0  }
0xdd: {  	[tilespmem:s0], [sflag:$0x2] =	stream.indirect.gather [hbm4b:s10+s31], $0x20, s18, s31, $0xb8;
	[tilespmem:$0x1ED80] =	vst v63  }
0xde: {  	_ =	swait.ge [sflag:s11], $0x1F40  }
0xdf: {  	[sflag:s11] =	ssyncset.done $0x0  }
0xe0: {  	s19 =	rddreg [dreg:$0x18];
	[sflag:s11] =	ssyncadd.s32 $0xFFFFE0C0  }
0xe1: {  	[spmem:s2] =	stream.indirect.scatter.add.f32 [tilespmem:s0], [sflag:$0x4], $0x20, s19, s31, $0xb8;
	[tilespmem:$0x1ED80] =	vst v63  }
0xe2: {  	_ =	swait.ge [sflag:s12], $0x1F40  }
0xe3: {  	[sflag:s12] =	ssyncset.done $0x0  }
0xe4: {  	[sflag:s12] =	ssyncadd.s32 $0xFFFFE0C0  }
0xe5: {  	_ =	swait.ge [sflag:s13], $0xA00  }
0xe6: {  	[sflag:s13] =	ssyncset.done $0x0  }
0xe7: {  	[sflag:s13] =	ssyncadd.s32 $0xFFFFF600  }
0xe8: {  	p0 =	por $0x0, $0x0;
	s17 =	simm.s32 $0x14;
	_ =	swait.ge [sflag:s13], $0xA00  }
0xe9: {  	s17 =	simm.s32 @p0 $0x0;
	[sflag:s13] =	ssyncset.done $0x0;
	s20 =	rddreg [dreg:$0x4]  }
0xea: {  	[sflag:s13] =	ssyncadd.s32 $0xFFFFF600;
	s17 =	sadd.s32 s20, s17  }
0xeb: {  	[tilespmem:s28], [sflag:$0x1] =	stream.indirect.gather [hbm4b:s10+s31], $0x20, s1, s31, $0xb8;
	[tilespmem:$0x1ED80] =	vst v63  }
0xec: {  	s17 =	sshll.u32 s17, $0x5  }
0xed: {  	s17 =	sand.u32 $0x1FFFFF80, s17  }
0xee: {  	s21 =	sadd.s32 s5, s17  }
0xef: {  	[tilespmem:s24], [sflag:$0x5] =	stream.linear.gather [hbm4b:s21+s3], $0xA00, $0x38;
	[tilespmem:$0x1ED80] =	vst v63  }
0xf0: {  	s17 =	sadd.s32 s4, s17  }
0xf1: {  	[tilespmem:s26], [sflag:$0x5] =	stream.linear.gather [hbm4b:s17+s3], $0xA00, $0x38;
	[tilespmem:$0x1ED80] =	vst v63  }
0xf2: {  	_ =	swait.ge [sflag:s7], $0x1F40  }
0xf3: {  	[sflag:s7] =	ssyncset.done $0x0  }
0xf4: {  	[sflag:s7] =	ssyncadd.s32 $0xFFFFE0C0  }
0xf5: {  	[spmem:s2] =	stream.indirect.scatter.add.f32 [tilespmem:s28], [sflag:$0x3], $0x20, s6, s31, $0xb8;
	[tilespmem:$0x1ED80] =	vst v63  }
0xf6: {  	_ =	swait.ge [sflag:s9], $0x1F40  }
0xf7: {  	[sflag:s9] =	ssyncset.done $0x0  }
0xf8: {  	s22 =	rddreg [dreg:$0x19];
	[sflag:s9] =	ssyncadd.s32 $0xFFFFE0C0  }
0xf9: {  	[tilespmem:s0], [sflag:$0x2] =	stream.indirect.gather [hbm4b:s10+s31], $0x20, s22, s31, $0xb8;
	[tilespmem:$0x1ED80] =	vst v63  }
0xfa: {  	_ =	swait.ge [sflag:s11], $0x1F40  }
0xfb: {  	[sflag:s11] =	ssyncset.done $0x0  }
0xfc: {  	s18 =	rddreg [dreg:$0x1a];
	[sflag:s11] =	ssyncadd.s32 $0xFFFFE0C0  }
0xfd: {  	[spmem:s2] =	stream.indirect.scatter.add.f32 [tilespmem:s0], [sflag:$0x4], $0x20, s18, s31, $0xb8;
	[tilespmem:$0x1ED80] =	vst v63  }
0xfe: {  	_ =	swait.ge [sflag:s12], $0x1F40  }
0xff: {  	[sflag:s12] =	ssyncset.done $0x0  }
0x100: {  	s19 =	rddreg [dreg:$0x1b];
	[sflag:s12] =	ssyncadd.s32 $0xFFFFE0C0  }
0x101: {  	[tilespmem:s28], [sflag:$0x1] =	stream.indirect.gather [hbm4b:s10+s31], $0x20, s19, s31, $0xb8;
	[tilespmem:$0x1ED80] =	vst v63  }
0x102: {  	_ =	swait.ge [sflag:s7], $0x1F40  }
0x103: {  	[sflag:s7] =	ssyncset.done $0x0  }
0x104: {  	s20 =	rddreg [dreg:$0x1c];
	[sflag:s7] =	ssyncadd.s32 $0xFFFFE0C0  }
0x105: {  	[spmem:s2] =	stream.indirect.scatter.add.f32 [tilespmem:s28], [sflag:$0x3], $0x20, s20, s31, $0xb8;
	[tilespmem:$0x1ED80] =	vst v63  }
0x106: {  	_ =	swait.ge [sflag:s9], $0x1F40  }
0x107: {  	[sflag:s9] =	ssyncset.done $0x0  }
0x108: {  	s21 =	rddreg [dreg:$0x1d];
	[sflag:s9] =	ssyncadd.s32 $0xFFFFE0C0  }
0x109: {  	[tilespmem:s0], [sflag:$0x2] =	stream.indirect.gather [hbm4b:s10+s31], $0x20, s21, s31, $0xb8;
	[tilespmem:$0x1ED80] =	vst v63  }
0x10a: {  	_ =	swait.ge [sflag:s11], $0x1F40  }
0x10b: {  	[sflag:s11] =	ssyncset.done $0x0  }
0x10c: {  	s22 =	rddreg [dreg:$0x1e];
	[sflag:s11] =	ssyncadd.s32 $0xFFFFE0C0  }
0x10d: {  	[spmem:s2] =	stream.indirect.scatter.add.f32 [tilespmem:s0], [sflag:$0x4], $0x20, s22, s31, $0xb8;
	[tilespmem:$0x1ED80] =	vst v63  }
0x10e: {  	_ =	swait.ge [sflag:s12], $0x1F40  }
0x10f: {  	[sflag:s12] =	ssyncset.done $0x0  }
0x110: {  	s18 =	rddreg [dreg:$0x1f];
	[sflag:s12] =	ssyncadd.s32 $0xFFFFE0C0  }
0x111: {  	[tilespmem:s28], [sflag:$0x1] =	stream.indirect.gather [hbm4b:s10+s31], $0x20, s18, s31, $0xb8;
	[tilespmem:$0x1ED80] =	vst v63  }
0x112: {  	_ =	swait.ge [sflag:s7], $0x1F40  }
0x113: {  	s19 =	sld [smem:$0x7ED]  }
0x114: {  	[sflag:s7] =	ssyncset.done $0x0  }
0x115: {  	[sflag:s7] =	ssyncadd.s32 $0xFFFFE0C0  }
0x116: {  	[spmem:s2] =	stream.indirect.scatter.add.f32 [tilespmem:s28], [sflag:$0x3], $0x20, s19, s31, $0xb8;
	[tilespmem:$0x1ED80] =	vst v63  }
0x117: {  	_ =	swait.ge [sflag:s9], $0x1F40  }
0x118: {  	s20 =	sld [smem:$0x7EF]  }
0x119: {  	[sflag:s9] =	ssyncset.done $0x0  }
0x11a: {  	[sflag:s9] =	ssyncadd.s32 $0xFFFFE0C0  }
0x11b: {  	[tilespmem:s0], [sflag:$0x2] =	stream.indirect.gather [hbm4b:s10+s31], $0x20, s20, s31, $0xb8;
	[tilespmem:$0x1ED80] =	vst v63  }
0x11c: {  	_ =	swait.ge [sflag:s11], $0x1F40  }
0x11d: {  	s21 =	sld [smem:$0x7F1]  }
0x11e: {  	[sflag:s11] =	ssyncset.done $0x0  }
0x11f: {  	[sflag:s11] =	ssyncadd.s32 $0xFFFFE0C0  }
0x120: {  	[spmem:s2] =	stream.indirect.scatter.add.f32 [tilespmem:s0], [sflag:$0x4], $0x20, s21, s31, $0xb8;
	[tilespmem:$0x1ED80] =	vst v63  }
0x121: {  	_ =	swait.ge [sflag:s12], $0x1F40  }
0x122: {  	s22 =	sld [smem:$0x7F3]  }
0x123: {  	[sflag:s12] =	ssyncset.done $0x0  }
0x124: {  	[sflag:s12] =	ssyncadd.s32 $0xFFFFE0C0  }
0x125: {  	[tilespmem:s28], [sflag:$0x1] =	stream.indirect.gather [hbm4b:s10+s31], $0x20, s22, s31, $0xb8;
	[tilespmem:$0x1ED80] =	vst v63  }
0x126: {  	_ =	swait.ge [sflag:s7], $0x1F40  }
0x127: {  	s18 =	sld [smem:$0x7F5]  }
0x128: {  	[sflag:s7] =	ssyncset.done $0x0  }
0x129: {  	[sflag:s7] =	ssyncadd.s32 $0xFFFFE0C0  }
0x12a: {  	[spmem:s2] =	stream.indirect.scatter.add.f32 [tilespmem:s28], [sflag:$0x3], $0x20, s18, s31, $0xb8;
	[tilespmem:$0x1ED80] =	vst v63  }
0x12b: {  	_ =	swait.ge [sflag:s9], $0x1F40  }
0x12c: {  	s19 =	sld [smem:$0x7F7]  }
0x12d: {  	[sflag:s9] =	ssyncset.done $0x0  }
0x12e: {  	[sflag:s9] =	ssyncadd.s32 $0xFFFFE0C0  }
0x12f: {  	[tilespmem:s0], [sflag:$0x2] =	stream.indirect.gather [hbm4b:s10+s31], $0x20, s19, s31, $0xb8;
	[tilespmem:$0x1ED80] =	vst v63  }
0x130: {  	_ =	swait.ge [sflag:s11], $0x1F40  }
0x131: {  	s20 =	sld [smem:$0x7F9]  }
0x132: {  	[sflag:s11] =	ssyncset.done $0x0  }
0x133: {  	[sflag:s11] =	ssyncadd.s32 $0xFFFFE0C0  }
0x134: {  	[spmem:s2] =	stream.indirect.scatter.add.f32 [tilespmem:s0], [sflag:$0x4], $0x20, s20, s31, $0xb8;
	[tilespmem:$0x1ED80] =	vst v63  }
0x135: {  	_ =	swait.ge [sflag:s12], $0x1F40  }
0x136: {  	s21 =	sld [smem:$0x7FB]  }
0x137: {  	[sflag:s12] =	ssyncset.done $0x0  }
0x138: {  	[sflag:s12] =	ssyncadd.s32 $0xFFFFE0C0  }
0x139: {  	[tilespmem:s28], [sflag:$0x1] =	stream.indirect.gather [hbm4b:s10+s31], $0x20, s21, s31, $0xb8;
	[tilespmem:$0x1ED80] =	vst v63  }
0x13a: {  	_ =	swait.ge [sflag:s7], $0x1F40  }
0x13b: {  	s22 =	sld [smem:$0x7FD]  }
0x13c: {  	[sflag:s7] =	ssyncset.done $0x0  }
0x13d: {  	[sflag:s7] =	ssyncadd.s32 $0xFFFFE0C0  }
0x13e: {  	[spmem:s2] =	stream.indirect.scatter.add.f32 [tilespmem:s28], [sflag:$0x3], $0x20, s22, s31, $0xb8;
	[tilespmem:$0x1ED80] =	vst v63  }
0x13f: {  	_ =	swait.ge [sflag:s9], $0x1F40  }
0x140: {  	[sflag:s9] =	ssyncset.done $0x0  }
0x141: {  	[sflag:s9] =	ssyncadd.s32 $0xFFFFE0C0  }
0x142: {  	[tilespmem:s0], [sflag:$0x2] =	stream.indirect.gather [hbm4b:s10+s31], $0x20, s14, s31, $0xb8;
	[tilespmem:$0x1ED80] =	vst v63  }
0x143: {  	_ =	swait.ge [sflag:s11], $0x1F40  }
0x144: {  	[sflag:s11] =	ssyncset.done $0x0  }
0x145: {  	[sflag:s11] =	ssyncadd.s32 $0xFFFFE0C0  }
0x146: {  	[spmem:s2] =	stream.indirect.scatter.add.f32 [tilespmem:s0], [sflag:$0x4], $0x20, s15, s31, $0xb8;
	[tilespmem:$0x1ED80] =	vst v63  }
0x147: {  	s17 =	simm.s32 $0x14;
	_ =	swait.ge [sflag:s12], $0x1F40  }
0x148: {  	s18 =	simm.s32 $0x280;
	s19 =	simm.s32 $0x500;
	[sflag:s12] =	ssyncset.done $0x0  }
.LBB2_4:
0x149: {  	[sflag:s12] =	ssyncadd.s32 $0xFFFFE0C0  }
0x14a: {  	_ =	swait.ge [sflag:s30], $0xA00  }
0x14b: {  	[sflag:s30] =	ssyncset.done $0x0  }
0x14c: {  	[sflag:s30] =	ssyncadd.s32 $0xFFFFF600  }
0x14d: {  	_ =	swait.ge [sflag:s30], $0xA00  }
0x14e: {  	[sflag:s30] =	ssyncset.done $0x0  }
0x14f: {  	s21 =	rddreg [dreg:$0x6];
	[sflag:s30] =	ssyncadd.s32 $0xFFFFF600  }
0x150: {  	[tilespmem:s28], [sflag:$0x1] =	stream.indirect.gather [hbm4b:s10+s31], $0x20, s24, s31, $0xb8;
	[tilespmem:$0x1ED80] =	vst v63  }
0x151: {  	s22 =	rddreg [dreg:$0x5];
	s21 =	sadd.s32 s18, s21  }
0x152: {  	[tilespmem:s1], [sflag:$0x6] =	stream.linear.gather [hbm4b:s21+s3], $0xA00, $0x38;
	[tilespmem:$0x1ED80] =	vst v63  }
0x153: {  	s22 =	sadd.s32 s18, s22  }
0x154: {  	[tilespmem:s6], [sflag:$0x6] =	stream.linear.gather [hbm4b:s22+s3], $0xA00, $0x38;
	[tilespmem:$0x1ED80] =	vst v63  }
0x155: {  	_ =	swait.ge [sflag:s7], $0x1F40  }
0x156: {  	[sflag:s7] =	ssyncset.done $0x0  }
0x157: {  	[sflag:s7] =	ssyncadd.s32 $0xFFFFE0C0  }
0x158: {  	[spmem:s2] =	stream.indirect.scatter.add.f32 [tilespmem:s28], [sflag:$0x3], $0x20, s26, s31, $0xb8;
	[tilespmem:$0x1ED80] =	vst v63  }
0x159: {  	_ =	swait.ge [sflag:s9], $0x1F40  }
0x15a: {  	[sflag:s9] =	ssyncset.done $0x0  }
0x15b: {  	s22 =	rddreg [dreg:$0x7];
	[sflag:s9] =	ssyncadd.s32 $0xFFFFE0C0  }
0x15c: {  	[tilespmem:s0], [sflag:$0x2] =	stream.indirect.gather [hbm4b:s10+s31], $0x20, s22, s31, $0xb8;
	[tilespmem:$0x1ED80] =	vst v63  }
0x15d: {  	_ =	swait.ge [sflag:s11], $0x1F40  }
0x15e: {  	[sflag:s11] =	ssyncset.done $0x0  }
0x15f: {  	s22 =	rddreg [dreg:$0x8];
	[sflag:s11] =	ssyncadd.s32 $0xFFFFE0C0  }
0x160: {  	[spmem:s2] =	stream.indirect.scatter.add.f32 [tilespmem:s0], [sflag:$0x4], $0x20, s22, s31, $0xb8;
	[tilespmem:$0x1ED80] =	vst v63  }
0x161: {  	_ =	swait.ge [sflag:s12], $0x1F40  }
0x162: {  	[sflag:s12] =	ssyncset.done $0x0  }
0x163: {  	s22 =	rddreg [dreg:$0x9];
	[sflag:s12] =	ssyncadd.s32 $0xFFFFE0C0  }
0x164: {  	[tilespmem:s28], [sflag:$0x1] =	stream.indirect.gather [hbm4b:s10+s31], $0x20, s22, s31, $0xb8;
	[tilespmem:$0x1ED80] =	vst v63  }
0x165: {  	_ =	swait.ge [sflag:s7], $0x1F40  }
0x166: {  	[sflag:s7] =	ssyncset.done $0x0  }
0x167: {  	s22 =	rddreg [dreg:$0xa];
	[sflag:s7] =	ssyncadd.s32 $0xFFFFE0C0  }
0x168: {  	[spmem:s2] =	stream.indirect.scatter.add.f32 [tilespmem:s28], [sflag:$0x3], $0x20, s22, s31, $0xb8;
	[tilespmem:$0x1ED80] =	vst v63  }
0x169: {  	_ =	swait.ge [sflag:s9], $0x1F40  }
0x16a: {  	[sflag:s9] =	ssyncset.done $0x0  }
0x16b: {  	s22 =	rddreg [dreg:$0xb];
	[sflag:s9] =	ssyncadd.s32 $0xFFFFE0C0  }
0x16c: {  	[tilespmem:s0], [sflag:$0x2] =	stream.indirect.gather [hbm4b:s10+s31], $0x20, s22, s31, $0xb8;
	[tilespmem:$0x1ED80] =	vst v63  }
0x16d: {  	_ =	swait.ge [sflag:s11], $0x1F40  }
0x16e: {  	[sflag:s11] =	ssyncset.done $0x0  }
0x16f: {  	s22 =	rddreg [dreg:$0xc];
	[sflag:s11] =	ssyncadd.s32 $0xFFFFE0C0  }
0x170: {  	[spmem:s2] =	stream.indirect.scatter.add.f32 [tilespmem:s0], [sflag:$0x4], $0x20, s22, s31, $0xb8;
	[tilespmem:$0x1ED80] =	vst v63  }
0x171: {  	_ =	swait.ge [sflag:s12], $0x1F40  }
0x172: {  	[sflag:s12] =	ssyncset.done $0x0  }
0x173: {  	s22 =	rddreg [dreg:$0xd];
	[sflag:s12] =	ssyncadd.s32 $0xFFFFE0C0  }
0x174: {  	[tilespmem:s28], [sflag:$0x1] =	stream.indirect.gather [hbm4b:s10+s31], $0x20, s22, s31, $0xb8;
	[tilespmem:$0x1ED80] =	vst v63  }
0x175: {  	_ =	swait.ge [sflag:s7], $0x1F40  }
0x176: {  	[sflag:s7] =	ssyncset.done $0x0  }
0x177: {  	s22 =	rddreg [dreg:$0xe];
	[sflag:s7] =	ssyncadd.s32 $0xFFFFE0C0  }
0x178: {  	[spmem:s2] =	stream.indirect.scatter.add.f32 [tilespmem:s28], [sflag:$0x3], $0x20, s22, s31, $0xb8;
	[tilespmem:$0x1ED80] =	vst v63  }
0x179: {  	_ =	swait.ge [sflag:s9], $0x1F40  }
0x17a: {  	[sflag:s9] =	ssyncset.done $0x0  }
0x17b: {  	s22 =	rddreg [dreg:$0xf];
	[sflag:s9] =	ssyncadd.s32 $0xFFFFE0C0  }
0x17c: {  	[tilespmem:s0], [sflag:$0x2] =	stream.indirect.gather [hbm4b:s10+s31], $0x20, s22, s31, $0xb8;
	[tilespmem:$0x1ED80] =	vst v63  }
0x17d: {  	_ =	swait.ge [sflag:s11], $0x1F40  }
0x17e: {  	[sflag:s11] =	ssyncset.done $0x0  }
0x17f: {  	s22 =	rddreg [dreg:$0x10];
	[sflag:s11] =	ssyncadd.s32 $0xFFFFE0C0  }
0x180: {  	[spmem:s2] =	stream.indirect.scatter.add.f32 [tilespmem:s0], [sflag:$0x4], $0x20, s22, s31, $0xb8;
	[tilespmem:$0x1ED80] =	vst v63  }
0x181: {  	_ =	swait.ge [sflag:s12], $0x1F40  }
0x182: {  	[sflag:s12] =	ssyncset.done $0x0  }
0x183: {  	s22 =	rddreg [dreg:$0x11];
	[sflag:s12] =	ssyncadd.s32 $0xFFFFE0C0  }
0x184: {  	[tilespmem:s28], [sflag:$0x1] =	stream.indirect.gather [hbm4b:s10+s31], $0x20, s22, s31, $0xb8;
	[tilespmem:$0x1ED80] =	vst v63  }
0x185: {  	_ =	swait.ge [sflag:s7], $0x1F40  }
0x186: {  	[sflag:s7] =	ssyncset.done $0x0  }
0x187: {  	s22 =	rddreg [dreg:$0x12];
	[sflag:s7] =	ssyncadd.s32 $0xFFFFE0C0  }
0x188: {  	[spmem:s2] =	stream.indirect.scatter.add.f32 [tilespmem:s28], [sflag:$0x3], $0x20, s22, s31, $0xb8;
	[tilespmem:$0x1ED80] =	vst v63  }
0x189: {  	_ =	swait.ge [sflag:s9], $0x1F40  }
0x18a: {  	[sflag:s9] =	ssyncset.done $0x0  }
0x18b: {  	s22 =	rddreg [dreg:$0x13];
	[sflag:s9] =	ssyncadd.s32 $0xFFFFE0C0  }
0x18c: {  	[tilespmem:s0], [sflag:$0x2] =	stream.indirect.gather [hbm4b:s10+s31], $0x20, s22, s31, $0xb8;
	[tilespmem:$0x1ED80] =	vst v63  }
0x18d: {  	_ =	swait.ge [sflag:s11], $0x1F40  }
0x18e: {  	[sflag:s11] =	ssyncset.done $0x0  }
0x18f: {  	s22 =	rddreg [dreg:$0x14];
	[sflag:s11] =	ssyncadd.s32 $0xFFFFE0C0  }
0x190: {  	[spmem:s2] =	stream.indirect.scatter.add.f32 [tilespmem:s0], [sflag:$0x4], $0x20, s22, s31, $0xb8;
	[tilespmem:$0x1ED80] =	vst v63  }
0x191: {  	_ =	swait.ge [sflag:s12], $0x1F40  }
0x192: {  	[sflag:s12] =	ssyncset.done $0x0  }
0x193: {  	s22 =	rddreg [dreg:$0x15];
	[sflag:s12] =	ssyncadd.s32 $0xFFFFE0C0  }
0x194: {  	[tilespmem:s28], [sflag:$0x1] =	stream.indirect.gather [hbm4b:s10+s31], $0x20, s22, s31, $0xb8;
	[tilespmem:$0x1ED80] =	vst v63  }
0x195: {  	_ =	swait.ge [sflag:s7], $0x1F40  }
0x196: {  	[sflag:s7] =	ssyncset.done $0x0  }
0x197: {  	s22 =	rddreg [dreg:$0x16];
	[sflag:s7] =	ssyncadd.s32 $0xFFFFE0C0  }
0x198: {  	[spmem:s2] =	stream.indirect.scatter.add.f32 [tilespmem:s28], [sflag:$0x3], $0x20, s22, s31, $0xb8;
	[tilespmem:$0x1ED80] =	vst v63  }
0x199: {  	_ =	swait.ge [sflag:s9], $0x1F40  }
0x19a: {  	[sflag:s9] =	ssyncset.done $0x0  }
0x19b: {  	s22 =	rddreg [dreg:$0x17];
	[sflag:s9] =	ssyncadd.s32 $0xFFFFE0C0  }
0x19c: {  	[tilespmem:s0], [sflag:$0x2] =	stream.indirect.gather [hbm4b:s10+s31], $0x20, s22, s31, $0xb8;
	[tilespmem:$0x1ED80] =	vst v63  }
0x19d: {  	_ =	swait.ge [sflag:s11], $0x1F40  }
0x19e: {  	[sflag:s11] =	ssyncset.done $0x0  }
0x19f: {  	s22 =	rddreg [dreg:$0x18];
	[sflag:s11] =	ssyncadd.s32 $0xFFFFE0C0  }
0x1a0: {  	[spmem:s2] =	stream.indirect.scatter.add.f32 [tilespmem:s0], [sflag:$0x4], $0x20, s22, s31, $0xb8;
	[tilespmem:$0x1ED80] =	vst v63  }
0x1a1: {  	_ =	swait.ge [sflag:s12], $0x1F40  }
0x1a2: {  	[sflag:s12] =	ssyncset.done $0x0  }
0x1a3: {  	[sflag:s12] =	ssyncadd.s32 $0xFFFFE0C0  }
0x1a4: {  	_ =	swait.ge [sflag:s13], $0xA00  }
0x1a5: {  	s17 =	sadd.s32 $0x14, s17;
	[sflag:s13] =	ssyncset.done $0x0  }
0x1a6: {  	s20 =	smov.u32 s19;
	p1 =	seq.s32 s18, $0x1680;
	[sflag:s13] =	ssyncadd.s32 $0xFFFFF600  }
0x1a7: {  	s18 =	smov.u32 s20;
	s20 =	smov.u32 s17;
	_ =	swait.ge [sflag:s13], $0xA00  }
0x1a8: {  	s20 =	simm.s32 @p1 $0x0;
	[sflag:s13] =	ssyncset.done $0x0;
	s22 =	rddreg [dreg:$0x4]  }
0x1a9: {  	[sflag:s13] =	ssyncadd.s32 $0xFFFFF600;
	s20 =	sadd.s32 s22, s20  }
0x1aa: {  	[tilespmem:s28], [sflag:$0x1] =	stream.indirect.gather [hbm4b:s10+s31], $0x20, s1, s31, $0xb8;
	[tilespmem:$0x1ED80] =	vst v63  }
0x1ab: {  	s20 =	sshll.u32 s20, $0x5  }
0x1ac: {  	s20 =	sand.u32 $0x1FFFFF80, s20  }
0x1ad: {  	s22 =	sadd.s32 s5, s20  }
0x1ae: {  	[tilespmem:s24], [sflag:$0x5] =	stream.linear.gather [hbm4b:s22+s3], $0xA00, $0x38;
	[tilespmem:$0x1ED80] =	vst v63  }
0x1af: {  	s20 =	sadd.s32 s4, s20  }
0x1b0: {  	[tilespmem:s26], [sflag:$0x5] =	stream.linear.gather [hbm4b:s20+s3], $0xA00, $0x38;
	[tilespmem:$0x1ED80] =	vst v63  }
0x1b1: {  	_ =	swait.ge [sflag:s7], $0x1F40  }
0x1b2: {  	[sflag:s7] =	ssyncset.done $0x0  }
0x1b3: {  	[sflag:s7] =	ssyncadd.s32 $0xFFFFE0C0  }
0x1b4: {  	[spmem:s2] =	stream.indirect.scatter.add.f32 [tilespmem:s28], [sflag:$0x3], $0x20, s6, s31, $0xb8;
	[tilespmem:$0x1ED80] =	vst v63  }
0x1b5: {  	_ =	swait.ge [sflag:s9], $0x1F40  }
0x1b6: {  	[sflag:s9] =	ssyncset.done $0x0  }
0x1b7: {  	s21 =	rddreg [dreg:$0x19];
	[sflag:s9] =	ssyncadd.s32 $0xFFFFE0C0  }
0x1b8: {  	[tilespmem:s0], [sflag:$0x2] =	stream.indirect.gather [hbm4b:s10+s31], $0x20, s21, s31, $0xb8;
	[tilespmem:$0x1ED80] =	vst v63  }
0x1b9: {  	_ =	swait.ge [sflag:s11], $0x1F40  }
0x1ba: {  	[sflag:s11] =	ssyncset.done $0x0  }
0x1bb: {  	s22 =	rddreg [dreg:$0x1a];
	[sflag:s11] =	ssyncadd.s32 $0xFFFFE0C0  }
0x1bc: {  	[spmem:s2] =	stream.indirect.scatter.add.f32 [tilespmem:s0], [sflag:$0x4], $0x20, s22, s31, $0xb8;
	[tilespmem:$0x1ED80] =	vst v63  }
0x1bd: {  	_ =	swait.ge [sflag:s12], $0x1F40  }
0x1be: {  	[sflag:s12] =	ssyncset.done $0x0  }
0x1bf: {  	s21 =	rddreg [dreg:$0x1b];
	[sflag:s12] =	ssyncadd.s32 $0xFFFFE0C0  }
0x1c0: {  	[tilespmem:s28], [sflag:$0x1] =	stream.indirect.gather [hbm4b:s10+s31], $0x20, s21, s31, $0xb8;
	[tilespmem:$0x1ED80] =	vst v63  }
0x1c1: {  	_ =	swait.ge [sflag:s7], $0x1F40  }
0x1c2: {  	[sflag:s7] =	ssyncset.done $0x0  }
0x1c3: {  	s22 =	rddreg [dreg:$0x1c];
	[sflag:s7] =	ssyncadd.s32 $0xFFFFE0C0  }
0x1c4: {  	[spmem:s2] =	stream.indirect.scatter.add.f32 [tilespmem:s28], [sflag:$0x3], $0x20, s22, s31, $0xb8;
	[tilespmem:$0x1ED80] =	vst v63  }
0x1c5: {  	_ =	swait.ge [sflag:s9], $0x1F40  }
0x1c6: {  	[sflag:s9] =	ssyncset.done $0x0  }
0x1c7: {  	s21 =	rddreg [dreg:$0x1d];
	[sflag:s9] =	ssyncadd.s32 $0xFFFFE0C0  }
0x1c8: {  	[tilespmem:s0], [sflag:$0x2] =	stream.indirect.gather [hbm4b:s10+s31], $0x20, s21, s31, $0xb8;
	[tilespmem:$0x1ED80] =	vst v63  }
0x1c9: {  	_ =	swait.ge [sflag:s11], $0x1F40  }
0x1ca: {  	[sflag:s11] =	ssyncset.done $0x0  }
0x1cb: {  	s22 =	rddreg [dreg:$0x1e];
	[sflag:s11] =	ssyncadd.s32 $0xFFFFE0C0  }
0x1cc: {  	[spmem:s2] =	stream.indirect.scatter.add.f32 [tilespmem:s0], [sflag:$0x4], $0x20, s22, s31, $0xb8;
	[tilespmem:$0x1ED80] =	vst v63  }
0x1cd: {  	_ =	swait.ge [sflag:s12], $0x1F40  }
0x1ce: {  	[sflag:s12] =	ssyncset.done $0x0  }
0x1cf: {  	s21 =	rddreg [dreg:$0x1f];
	[sflag:s12] =	ssyncadd.s32 $0xFFFFE0C0  }
0x1d0: {  	[tilespmem:s28], [sflag:$0x1] =	stream.indirect.gather [hbm4b:s10+s31], $0x20, s21, s31, $0xb8;
	[tilespmem:$0x1ED80] =	vst v63  }
0x1d1: {  	_ =	swait.ge [sflag:s7], $0x1F40  }
0x1d2: {  	s22 =	sld [smem:$0x7ED]  }
0x1d3: {  	[sflag:s7] =	ssyncset.done $0x0  }
0x1d4: {  	[sflag:s7] =	ssyncadd.s32 $0xFFFFE0C0  }
0x1d5: {  	[spmem:s2] =	stream.indirect.scatter.add.f32 [tilespmem:s28], [sflag:$0x3], $0x20, s22, s31, $0xb8;
	[tilespmem:$0x1ED80] =	vst v63  }
0x1d6: {  	_ =	swait.ge [sflag:s9], $0x1F40  }
0x1d7: {  	s21 =	sld [smem:$0x7EF]  }
0x1d8: {  	[sflag:s9] =	ssyncset.done $0x0  }
0x1d9: {  	[sflag:s9] =	ssyncadd.s32 $0xFFFFE0C0  }
0x1da: {  	[tilespmem:s0], [sflag:$0x2] =	stream.indirect.gather [hbm4b:s10+s31], $0x20, s21, s31, $0xb8;
	[tilespmem:$0x1ED80] =	vst v63  }
0x1db: {  	_ =	swait.ge [sflag:s11], $0x1F40  }
0x1dc: {  	s22 =	sld [smem:$0x7F1]  }
0x1dd: {  	[sflag:s11] =	ssyncset.done $0x0  }
0x1de: {  	[sflag:s11] =	ssyncadd.s32 $0xFFFFE0C0  }
0x1df: {  	[spmem:s2] =	stream.indirect.scatter.add.f32 [tilespmem:s0], [sflag:$0x4], $0x20, s22, s31, $0xb8;
	[tilespmem:$0x1ED80] =	vst v63  }
0x1e0: {  	_ =	swait.ge [sflag:s12], $0x1F40  }
0x1e1: {  	s21 =	sld [smem:$0x7F3]  }
0x1e2: {  	[sflag:s12] =	ssyncset.done $0x0  }
0x1e3: {  	[sflag:s12] =	ssyncadd.s32 $0xFFFFE0C0  }
0x1e4: {  	[tilespmem:s28], [sflag:$0x1] =	stream.indirect.gather [hbm4b:s10+s31], $0x20, s21, s31, $0xb8;
	[tilespmem:$0x1ED80] =	vst v63  }
0x1e5: {  	_ =	swait.ge [sflag:s7], $0x1F40  }
0x1e6: {  	s22 =	sld [smem:$0x7F5]  }
0x1e7: {  	[sflag:s7] =	ssyncset.done $0x0  }
0x1e8: {  	[sflag:s7] =	ssyncadd.s32 $0xFFFFE0C0  }
0x1e9: {  	[spmem:s2] =	stream.indirect.scatter.add.f32 [tilespmem:s28], [sflag:$0x3], $0x20, s22, s31, $0xb8;
	[tilespmem:$0x1ED80] =	vst v63  }
0x1ea: {  	_ =	swait.ge [sflag:s9], $0x1F40  }
0x1eb: {  	s21 =	sld [smem:$0x7F7]  }
0x1ec: {  	[sflag:s9] =	ssyncset.done $0x0  }
0x1ed: {  	[sflag:s9] =	ssyncadd.s32 $0xFFFFE0C0  }
0x1ee: {  	[tilespmem:s0], [sflag:$0x2] =	stream.indirect.gather [hbm4b:s10+s31], $0x20, s21, s31, $0xb8;
	[tilespmem:$0x1ED80] =	vst v63  }
0x1ef: {  	_ =	swait.ge [sflag:s11], $0x1F40  }
0x1f0: {  	s22 =	sld [smem:$0x7F9]  }
0x1f1: {  	[sflag:s11] =	ssyncset.done $0x0  }
0x1f2: {  	[sflag:s11] =	ssyncadd.s32 $0xFFFFE0C0  }
0x1f3: {  	[spmem:s2] =	stream.indirect.scatter.add.f32 [tilespmem:s0], [sflag:$0x4], $0x20, s22, s31, $0xb8;
	[tilespmem:$0x1ED80] =	vst v63  }
0x1f4: {  	_ =	swait.ge [sflag:s12], $0x1F40  }
0x1f5: {  	s21 =	sld [smem:$0x7FB]  }
0x1f6: {  	[sflag:s12] =	ssyncset.done $0x0  }
0x1f7: {  	[sflag:s12] =	ssyncadd.s32 $0xFFFFE0C0  }
0x1f8: {  	[tilespmem:s28], [sflag:$0x1] =	stream.indirect.gather [hbm4b:s10+s31], $0x20, s21, s31, $0xb8;
	[tilespmem:$0x1ED80] =	vst v63  }
0x1f9: {  	_ =	swait.ge [sflag:s7], $0x1F40  }
0x1fa: {  	s22 =	sld [smem:$0x7FD]  }
0x1fb: {  	[sflag:s7] =	ssyncset.done $0x0  }
0x1fc: {  	[sflag:s7] =	ssyncadd.s32 $0xFFFFE0C0  }
0x1fd: {  	[spmem:s2] =	stream.indirect.scatter.add.f32 [tilespmem:s28], [sflag:$0x3], $0x20, s22, s31, $0xb8;
	[tilespmem:$0x1ED80] =	vst v63  }
0x1fe: {  	_ =	swait.ge [sflag:s9], $0x1F40  }
0x1ff: {  	[sflag:s9] =	ssyncset.done $0x0  }
0x200: {  	[sflag:s9] =	ssyncadd.s32 $0xFFFFE0C0  }
0x201: {  	[tilespmem:s0], [sflag:$0x2] =	stream.indirect.gather [hbm4b:s10+s31], $0x20, s14, s31, $0xb8;
	[tilespmem:$0x1ED80] =	vst v63  }
0x202: {  	p0 =	sne.s32 s19, $0x1680;
	_ =	swait.ge [sflag:s11], $0x1F40  }
.Ltmp1:
0x203: {  	[sflag:s11] =	ssyncset.done $0x0;
	(pc) =	sbr.rel @p0 .LBB2_4-.Ltmp1, $4  }
0x204: {  	[sflag:s11] =	ssyncadd.s32 $0xFFFFE0C0  }
0x205: {  	[spmem:s2] =	stream.indirect.scatter.add.f32 [tilespmem:s0], [sflag:$0x4], $0x20, s15, s31, $0xb8;
	[tilespmem:$0x1ED80] =	vst v63  }
0x206: {  	_ =	swait.ge [sflag:s12], $0x1F40  }
0x207: {  	s19 =	sadd.s32 $0x280, s19;
	[sflag:s12] =	ssyncset.done $0x0  }
0x208: {  	[sflag:s12] =	ssyncadd.s32 $0xFFFFE0C0  }
0x209: {  	_ =	swait.ge [sflag:s30], $0xA00  }
0x20a: {  	[sflag:s30] =	ssyncset.done $0x0  }
0x20b: {  	[sflag:s30] =	ssyncadd.s32 $0xFFFFF600  }
0x20c: {  	_ =	swait.ge [sflag:s30], $0xA00  }
0x20d: {  	[sflag:s30] =	ssyncset.done $0x0  }
0x20e: {  	s19 =	rddreg [dreg:$0x6];
	[sflag:s30] =	ssyncadd.s32 $0xFFFFF600  }
0x20f: {  	[tilespmem:s28], [sflag:$0x1] =	stream.indirect.gather [hbm4b:s10+s31], $0x20, s24, s31, $0xb8;
	[tilespmem:$0x1ED80] =	vst v63  }
0x210: {  	s20 =	rddreg [dreg:$0x5];
	s19 =	sadd.s32 s18, s19  }
0x211: {  	[tilespmem:s1], [sflag:$0x6] =	stream.linear.gather [hbm4b:s19+s3], $0xA00, $0x38;
	[tilespmem:$0x1ED80] =	vst v63  }
0x212: {  	s20 =	sadd.s32 s18, s20  }
0x213: {  	[tilespmem:s6], [sflag:$0x6] =	stream.linear.gather [hbm4b:s20+s3], $0xA00, $0x38;
	[tilespmem:$0x1ED80] =	vst v63  }
0x214: {  	_ =	swait.ge [sflag:s7], $0x1F40  }
0x215: {  	[sflag:s7] =	ssyncset.done $0x0  }
0x216: {  	[sflag:s7] =	ssyncadd.s32 $0xFFFFE0C0  }
0x217: {  	[spmem:s2] =	stream.indirect.scatter.add.f32 [tilespmem:s28], [sflag:$0x3], $0x20, s26, s31, $0xb8;
	[tilespmem:$0x1ED80] =	vst v63  }
0x218: {  	_ =	swait.ge [sflag:s9], $0x1F40  }
0x219: {  	[sflag:s9] =	ssyncset.done $0x0  }
0x21a: {  	s21 =	rddreg [dreg:$0x7];
	[sflag:s9] =	ssyncadd.s32 $0xFFFFE0C0  }
0x21b: {  	[tilespmem:s0], [sflag:$0x2] =	stream.indirect.gather [hbm4b:s10+s31], $0x20, s21, s31, $0xb8;
	[tilespmem:$0x1ED80] =	vst v63  }
0x21c: {  	_ =	swait.ge [sflag:s11], $0x1F40  }
0x21d: {  	[sflag:s11] =	ssyncset.done $0x0  }
0x21e: {  	s22 =	rddreg [dreg:$0x8];
	[sflag:s11] =	ssyncadd.s32 $0xFFFFE0C0  }
0x21f: {  	[spmem:s2] =	stream.indirect.scatter.add.f32 [tilespmem:s0], [sflag:$0x4], $0x20, s22, s31, $0xb8;
	[tilespmem:$0x1ED80] =	vst v63  }
0x220: {  	_ =	swait.ge [sflag:s12], $0x1F40  }
0x221: {  	[sflag:s12] =	ssyncset.done $0x0  }
0x222: {  	s20 =	rddreg [dreg:$0x9];
	[sflag:s12] =	ssyncadd.s32 $0xFFFFE0C0  }
0x223: {  	[tilespmem:s28], [sflag:$0x1] =	stream.indirect.gather [hbm4b:s10+s31], $0x20, s20, s31, $0xb8;
	[tilespmem:$0x1ED80] =	vst v63  }
0x224: {  	_ =	swait.ge [sflag:s7], $0x1F40  }
0x225: {  	[sflag:s7] =	ssyncset.done $0x0  }
0x226: {  	s21 =	rddreg [dreg:$0xa];
	[sflag:s7] =	ssyncadd.s32 $0xFFFFE0C0  }
0x227: {  	[spmem:s2] =	stream.indirect.scatter.add.f32 [tilespmem:s28], [sflag:$0x3], $0x20, s21, s31, $0xb8;
	[tilespmem:$0x1ED80] =	vst v63  }
0x228: {  	_ =	swait.ge [sflag:s9], $0x1F40  }
0x229: {  	[sflag:s9] =	ssyncset.done $0x0  }
0x22a: {  	s22 =	rddreg [dreg:$0xb];
	[sflag:s9] =	ssyncadd.s32 $0xFFFFE0C0  }
0x22b: {  	[tilespmem:s0], [sflag:$0x2] =	stream.indirect.gather [hbm4b:s10+s31], $0x20, s22, s31, $0xb8;
	[tilespmem:$0x1ED80] =	vst v63  }
0x22c: {  	_ =	swait.ge [sflag:s11], $0x1F40  }
0x22d: {  	[sflag:s11] =	ssyncset.done $0x0  }
0x22e: {  	s20 =	rddreg [dreg:$0xc];
	[sflag:s11] =	ssyncadd.s32 $0xFFFFE0C0  }
0x22f: {  	[spmem:s2] =	stream.indirect.scatter.add.f32 [tilespmem:s0], [sflag:$0x4], $0x20, s20, s31, $0xb8;
	[tilespmem:$0x1ED80] =	vst v63  }
0x230: {  	_ =	swait.ge [sflag:s12], $0x1F40  }
0x231: {  	[sflag:s12] =	ssyncset.done $0x0  }
0x232: {  	s21 =	rddreg [dreg:$0xd];
	[sflag:s12] =	ssyncadd.s32 $0xFFFFE0C0  }
0x233: {  	[tilespmem:s28], [sflag:$0x1] =	stream.indirect.gather [hbm4b:s10+s31], $0x20, s21, s31, $0xb8;
	[tilespmem:$0x1ED80] =	vst v63  }
0x234: {  	_ =	swait.ge [sflag:s7], $0x1F40  }
0x235: {  	[sflag:s7] =	ssyncset.done $0x0  }
0x236: {  	s22 =	rddreg [dreg:$0xe];
	[sflag:s7] =	ssyncadd.s32 $0xFFFFE0C0  }
0x237: {  	[spmem:s2] =	stream.indirect.scatter.add.f32 [tilespmem:s28], [sflag:$0x3], $0x20, s22, s31, $0xb8;
	[tilespmem:$0x1ED80] =	vst v63  }
0x238: {  	_ =	swait.ge [sflag:s9], $0x1F40  }
0x239: {  	[sflag:s9] =	ssyncset.done $0x0  }
0x23a: {  	s20 =	rddreg [dreg:$0xf];
	[sflag:s9] =	ssyncadd.s32 $0xFFFFE0C0  }
0x23b: {  	[tilespmem:s0], [sflag:$0x2] =	stream.indirect.gather [hbm4b:s10+s31], $0x20, s20, s31, $0xb8;
	[tilespmem:$0x1ED80] =	vst v63  }
0x23c: {  	_ =	swait.ge [sflag:s11], $0x1F40  }
0x23d: {  	[sflag:s11] =	ssyncset.done $0x0  }
0x23e: {  	s21 =	rddreg [dreg:$0x10];
	[sflag:s11] =	ssyncadd.s32 $0xFFFFE0C0  }
0x23f: {  	[spmem:s2] =	stream.indirect.scatter.add.f32 [tilespmem:s0], [sflag:$0x4], $0x20, s21, s31, $0xb8;
	[tilespmem:$0x1ED80] =	vst v63  }
0x240: {  	_ =	swait.ge [sflag:s12], $0x1F40  }
0x241: {  	[sflag:s12] =	ssyncset.done $0x0  }
0x242: {  	s22 =	rddreg [dreg:$0x11];
	[sflag:s12] =	ssyncadd.s32 $0xFFFFE0C0  }
0x243: {  	[tilespmem:s28], [sflag:$0x1] =	stream.indirect.gather [hbm4b:s10+s31], $0x20, s22, s31, $0xb8;
	[tilespmem:$0x1ED80] =	vst v63  }
0x244: {  	_ =	swait.ge [sflag:s7], $0x1F40  }
0x245: {  	[sflag:s7] =	ssyncset.done $0x0  }
0x246: {  	s20 =	rddreg [dreg:$0x12];
	[sflag:s7] =	ssyncadd.s32 $0xFFFFE0C0  }
0x247: {  	[spmem:s2] =	stream.indirect.scatter.add.f32 [tilespmem:s28], [sflag:$0x3], $0x20, s20, s31, $0xb8;
	[tilespmem:$0x1ED80] =	vst v63  }
0x248: {  	_ =	swait.ge [sflag:s9], $0x1F40  }
0x249: {  	[sflag:s9] =	ssyncset.done $0x0  }
0x24a: {  	s21 =	rddreg [dreg:$0x13];
	[sflag:s9] =	ssyncadd.s32 $0xFFFFE0C0  }
0x24b: {  	[tilespmem:s0], [sflag:$0x2] =	stream.indirect.gather [hbm4b:s10+s31], $0x20, s21, s31, $0xb8;
	[tilespmem:$0x1ED80] =	vst v63  }
0x24c: {  	_ =	swait.ge [sflag:s11], $0x1F40  }
0x24d: {  	[sflag:s11] =	ssyncset.done $0x0  }
0x24e: {  	s22 =	rddreg [dreg:$0x14];
	[sflag:s11] =	ssyncadd.s32 $0xFFFFE0C0  }
0x24f: {  	[spmem:s2] =	stream.indirect.scatter.add.f32 [tilespmem:s0], [sflag:$0x4], $0x20, s22, s31, $0xb8;
	[tilespmem:$0x1ED80] =	vst v63  }
0x250: {  	_ =	swait.ge [sflag:s12], $0x1F40  }
0x251: {  	[sflag:s12] =	ssyncset.done $0x0  }
0x252: {  	s20 =	rddreg [dreg:$0x15];
	[sflag:s12] =	ssyncadd.s32 $0xFFFFE0C0  }
0x253: {  	[tilespmem:s28], [sflag:$0x1] =	stream.indirect.gather [hbm4b:s10+s31], $0x20, s20, s31, $0xb8;
	[tilespmem:$0x1ED80] =	vst v63  }
0x254: {  	_ =	swait.ge [sflag:s7], $0x1F40  }
0x255: {  	[sflag:s7] =	ssyncset.done $0x0  }
0x256: {  	s21 =	rddreg [dreg:$0x16];
	[sflag:s7] =	ssyncadd.s32 $0xFFFFE0C0  }
0x257: {  	[spmem:s2] =	stream.indirect.scatter.add.f32 [tilespmem:s28], [sflag:$0x3], $0x20, s21, s31, $0xb8;
	[tilespmem:$0x1ED80] =	vst v63  }
0x258: {  	_ =	swait.ge [sflag:s9], $0x1F40  }
0x259: {  	[sflag:s9] =	ssyncset.done $0x0  }
0x25a: {  	s22 =	rddreg [dreg:$0x17];
	[sflag:s9] =	ssyncadd.s32 $0xFFFFE0C0  }
0x25b: {  	[tilespmem:s0], [sflag:$0x2] =	stream.indirect.gather [hbm4b:s10+s31], $0x20, s22, s31, $0xb8;
	[tilespmem:$0x1ED80] =	vst v63  }
0x25c: {  	_ =	swait.ge [sflag:s11], $0x1F40  }
0x25d: {  	[sflag:s11] =	ssyncset.done $0x0  }
0x25e: {  	s20 =	rddreg [dreg:$0x18];
	[sflag:s11] =	ssyncadd.s32 $0xFFFFE0C0  }
0x25f: {  	[spmem:s2] =	stream.indirect.scatter.add.f32 [tilespmem:s0], [sflag:$0x4], $0x20, s20, s31, $0xb8;
	[tilespmem:$0x1ED80] =	vst v63  }
0x260: {  	_ =	swait.ge [sflag:s12], $0x1F40  }
0x261: {  	[sflag:s12] =	ssyncset.done $0x0  }
0x262: {  	[sflag:s12] =	ssyncadd.s32 $0xFFFFE0C0  }
0x263: {  	_ =	swait.ge [sflag:s13], $0xA00  }
0x264: {  	[sflag:s13] =	ssyncset.done $0x0  }
0x265: {  	[sflag:s13] =	ssyncadd.s32 $0xFFFFF600  }
0x266: {  	s17 =	sadd.s32 $0x14, s17;
	p0 =	seq.s32 s18, $0x1680;
	_ =	swait.ge [sflag:s13], $0xA00  }
0x267: {  	s17 =	simm.s32 @p0 $0x0;
	[sflag:s13] =	ssyncset.done $0x0;
	s21 =	rddreg [dreg:$0x4]  }
0x268: {  	[sflag:s13] =	ssyncadd.s32 $0xFFFFF600;
	s17 =	sadd.s32 s21, s17  }
0x269: {  	[tilespmem:s28], [sflag:$0x1] =	stream.indirect.gather [hbm4b:s10+s31], $0x20, s1, s31, $0xb8;
	[tilespmem:$0x1ED80] =	vst v63  }
0x26a: {  	s17 =	sshll.u32 s17, $0x5  }
0x26b: {  	s17 =	sand.u32 $0x1FFFFF80, s17  }
0x26c: {  	s22 =	sadd.s32 s5, s17  }
0x26d: {  	[tilespmem:s24], [sflag:$0x5] =	stream.linear.gather [hbm4b:s22+s3], $0xA00, $0x38;
	[tilespmem:$0x1ED80] =	vst v63  }
0x26e: {  	s17 =	sadd.s32 s4, s17  }
0x26f: {  	[tilespmem:s26], [sflag:$0x5] =	stream.linear.gather [hbm4b:s17+s3], $0xA00, $0x38;
	[tilespmem:$0x1ED80] =	vst v63  }
0x270: {  	_ =	swait.ge [sflag:s7], $0x1F40  }
0x271: {  	[sflag:s7] =	ssyncset.done $0x0  }
0x272: {  	[sflag:s7] =	ssyncadd.s32 $0xFFFFE0C0  }
0x273: {  	[spmem:s2] =	stream.indirect.scatter.add.f32 [tilespmem:s28], [sflag:$0x3], $0x20, s6, s31, $0xb8;
	[tilespmem:$0x1ED80] =	vst v63  }
0x274: {  	_ =	swait.ge [sflag:s9], $0x1F40  }
0x275: {  	[sflag:s9] =	ssyncset.done $0x0  }
0x276: {  	s19 =	rddreg [dreg:$0x19];
	[sflag:s9] =	ssyncadd.s32 $0xFFFFE0C0  }
0x277: {  	[tilespmem:s0], [sflag:$0x2] =	stream.indirect.gather [hbm4b:s10+s31], $0x20, s19, s31, $0xb8;
	[tilespmem:$0x1ED80] =	vst v63  }
0x278: {  	_ =	swait.ge [sflag:s11], $0x1F40  }
0x279: {  	[sflag:s11] =	ssyncset.done $0x0  }
0x27a: {  	s20 =	rddreg [dreg:$0x1a];
	[sflag:s11] =	ssyncadd.s32 $0xFFFFE0C0  }
0x27b: {  	[spmem:s2] =	stream.indirect.scatter.add.f32 [tilespmem:s0], [sflag:$0x4], $0x20, s20, s31, $0xb8;
	[tilespmem:$0x1ED80] =	vst v63  }
0x27c: {  	_ =	swait.ge [sflag:s12], $0x1F40  }
0x27d: {  	[sflag:s12] =	ssyncset.done $0x0  }
0x27e: {  	s21 =	rddreg [dreg:$0x1b];
	[sflag:s12] =	ssyncadd.s32 $0xFFFFE0C0  }
0x27f: {  	[tilespmem:s28], [sflag:$0x1] =	stream.indirect.gather [hbm4b:s10+s31], $0x20, s21, s31, $0xb8;
	[tilespmem:$0x1ED80] =	vst v63  }
0x280: {  	_ =	swait.ge [sflag:s7], $0x1F40  }
0x281: {  	[sflag:s7] =	ssyncset.done $0x0  }
0x282: {  	s22 =	rddreg [dreg:$0x1c];
	[sflag:s7] =	ssyncadd.s32 $0xFFFFE0C0  }
0x283: {  	[spmem:s2] =	stream.indirect.scatter.add.f32 [tilespmem:s28], [sflag:$0x3], $0x20, s22, s31, $0xb8;
	[tilespmem:$0x1ED80] =	vst v63  }
0x284: {  	_ =	swait.ge [sflag:s9], $0x1F40  }
0x285: {  	[sflag:s9] =	ssyncset.done $0x0  }
0x286: {  	s18 =	rddreg [dreg:$0x1d];
	[sflag:s9] =	ssyncadd.s32 $0xFFFFE0C0  }
0x287: {  	[tilespmem:s0], [sflag:$0x2] =	stream.indirect.gather [hbm4b:s10+s31], $0x20, s18, s31, $0xb8;
	[tilespmem:$0x1ED80] =	vst v63  }
0x288: {  	_ =	swait.ge [sflag:s11], $0x1F40  }
0x289: {  	[sflag:s11] =	ssyncset.done $0x0  }
0x28a: {  	s19 =	rddreg [dreg:$0x1e];
	[sflag:s11] =	ssyncadd.s32 $0xFFFFE0C0  }
0x28b: {  	[spmem:s2] =	stream.indirect.scatter.add.f32 [tilespmem:s0], [sflag:$0x4], $0x20, s19, s31, $0xb8;
	[tilespmem:$0x1ED80] =	vst v63  }
0x28c: {  	_ =	swait.ge [sflag:s12], $0x1F40  }
0x28d: {  	[sflag:s12] =	ssyncset.done $0x0  }
0x28e: {  	s20 =	rddreg [dreg:$0x1f];
	[sflag:s12] =	ssyncadd.s32 $0xFFFFE0C0  }
0x28f: {  	[tilespmem:s28], [sflag:$0x1] =	stream.indirect.gather [hbm4b:s10+s31], $0x20, s20, s31, $0xb8;
	[tilespmem:$0x1ED80] =	vst v63  }
0x290: {  	_ =	swait.ge [sflag:s7], $0x1F40  }
0x291: {  	s21 =	sld [smem:$0x7ED]  }
0x292: {  	[sflag:s7] =	ssyncset.done $0x0  }
0x293: {  	[sflag:s7] =	ssyncadd.s32 $0xFFFFE0C0  }
0x294: {  	[spmem:s2] =	stream.indirect.scatter.add.f32 [tilespmem:s28], [sflag:$0x3], $0x20, s21, s31, $0xb8;
	[tilespmem:$0x1ED80] =	vst v63  }
0x295: {  	_ =	swait.ge [sflag:s9], $0x1F40  }
0x296: {  	s22 =	sld [smem:$0x7EF]  }
0x297: {  	[sflag:s9] =	ssyncset.done $0x0  }
0x298: {  	[sflag:s9] =	ssyncadd.s32 $0xFFFFE0C0  }
0x299: {  	[tilespmem:s0], [sflag:$0x2] =	stream.indirect.gather [hbm4b:s10+s31], $0x20, s22, s31, $0xb8;
	[tilespmem:$0x1ED80] =	vst v63  }
0x29a: {  	_ =	swait.ge [sflag:s11], $0x1F40  }
0x29b: {  	s18 =	sld [smem:$0x7F1]  }
0x29c: {  	[sflag:s11] =	ssyncset.done $0x0  }
0x29d: {  	[sflag:s11] =	ssyncadd.s32 $0xFFFFE0C0  }
0x29e: {  	[spmem:s2] =	stream.indirect.scatter.add.f32 [tilespmem:s0], [sflag:$0x4], $0x20, s18, s31, $0xb8;
	[tilespmem:$0x1ED80] =	vst v63  }
0x29f: {  	_ =	swait.ge [sflag:s12], $0x1F40  }
0x2a0: {  	s19 =	sld [smem:$0x7F3]  }
0x2a1: {  	[sflag:s12] =	ssyncset.done $0x0  }
0x2a2: {  	[sflag:s12] =	ssyncadd.s32 $0xFFFFE0C0  }
0x2a3: {  	[tilespmem:s28], [sflag:$0x1] =	stream.indirect.gather [hbm4b:s10+s31], $0x20, s19, s31, $0xb8;
	[tilespmem:$0x1ED80] =	vst v63  }
0x2a4: {  	_ =	swait.ge [sflag:s7], $0x1F40  }
0x2a5: {  	s20 =	sld [smem:$0x7F5]  }
0x2a6: {  	[sflag:s7] =	ssyncset.done $0x0  }
0x2a7: {  	[sflag:s7] =	ssyncadd.s32 $0xFFFFE0C0  }
0x2a8: {  	[spmem:s2] =	stream.indirect.scatter.add.f32 [tilespmem:s28], [sflag:$0x3], $0x20, s20, s31, $0xb8;
	[tilespmem:$0x1ED80] =	vst v63  }
0x2a9: {  	_ =	swait.ge [sflag:s9], $0x1F40  }
0x2aa: {  	s21 =	sld [smem:$0x7F7]  }
0x2ab: {  	[sflag:s9] =	ssyncset.done $0x0  }
0x2ac: {  	[sflag:s9] =	ssyncadd.s32 $0xFFFFE0C0  }
0x2ad: {  	[tilespmem:s0], [sflag:$0x2] =	stream.indirect.gather [hbm4b:s10+s31], $0x20, s21, s31, $0xb8;
	[tilespmem:$0x1ED80] =	vst v63  }
0x2ae: {  	_ =	swait.ge [sflag:s11], $0x1F40  }
0x2af: {  	s22 =	sld [smem:$0x7F9]  }
0x2b0: {  	[sflag:s11] =	ssyncset.done $0x0  }
0x2b1: {  	[sflag:s11] =	ssyncadd.s32 $0xFFFFE0C0  }
0x2b2: {  	[spmem:s2] =	stream.indirect.scatter.add.f32 [tilespmem:s0], [sflag:$0x4], $0x20, s22, s31, $0xb8;
	[tilespmem:$0x1ED80] =	vst v63  }
0x2b3: {  	_ =	swait.ge [sflag:s12], $0x1F40  }
0x2b4: {  	s18 =	sld [smem:$0x7FB]  }
0x2b5: {  	[sflag:s12] =	ssyncset.done $0x0  }
0x2b6: {  	[sflag:s12] =	ssyncadd.s32 $0xFFFFE0C0  }
0x2b7: {  	[tilespmem:s28], [sflag:$0x1] =	stream.indirect.gather [hbm4b:s10+s31], $0x20, s18, s31, $0xb8;
	[tilespmem:$0x1ED80] =	vst v63  }
0x2b8: {  	_ =	swait.ge [sflag:s7], $0x1F40  }
0x2b9: {  	s19 =	sld [smem:$0x7FD]  }
0x2ba: {  	[sflag:s7] =	ssyncset.done $0x0  }
0x2bb: {  	[sflag:s7] =	ssyncadd.s32 $0xFFFFE0C0  }
0x2bc: {  	[spmem:s2] =	stream.indirect.scatter.add.f32 [tilespmem:s28], [sflag:$0x3], $0x20, s19, s31, $0xb8;
	[tilespmem:$0x1ED80] =	vst v63  }
0x2bd: {  	_ =	swait.ge [sflag:s9], $0x1F40  }
0x2be: {  	[sflag:s9] =	ssyncset.done $0x0  }
0x2bf: {  	[sflag:s9] =	ssyncadd.s32 $0xFFFFE0C0  }
0x2c0: {  	[tilespmem:s0], [sflag:$0x2] =	stream.indirect.gather [hbm4b:s10+s31], $0x20, s14, s31, $0xb8;
	[tilespmem:$0x1ED80] =	vst v63  }
0x2c1: {  	_ =	swait.ge [sflag:s11], $0x1F40  }
0x2c2: {  	[sflag:s11] =	ssyncset.done $0x0  }
0x2c3: {  	[sflag:s11] =	ssyncadd.s32 $0xFFFFE0C0  }
0x2c4: {  	[spmem:s2] =	stream.indirect.scatter.add.f32 [tilespmem:s0], [sflag:$0x4], $0x20, s15, s31, $0xb8;
	[tilespmem:$0x1ED80] =	vst v63  }
0x2c5: {  	_ =	swait.ge [sflag:s12], $0x1F40  }
0x2c6: {  	[sflag:s12] =	ssyncset.done $0x0  }
0x2c7: {  	[sflag:s12] =	ssyncadd.s32 $0xFFFFE0C0  }
0x2c8: {  	_ =	swait.ge [sflag:s30], $0xA00  }
0x2c9: {  	[sflag:s30] =	ssyncset.done $0x0  }
0x2ca: {  	[sflag:s30] =	ssyncadd.s32 $0xFFFFF600  }
0x2cb: {  	_ =	swait.ge [sflag:s30], $0xA00  }
0x2cc: {  	[sflag:s30] =	ssyncset.done $0x0  }
0x2cd: {  	[sflag:s30] =	ssyncadd.s32 $0xFFFFF600  }
0x2ce: {  	[tilespmem:s28], [sflag:$0x1] =	stream.indirect.gather [hbm4b:s10+s31], $0x20, s24, s31, $0xb8;
	[tilespmem:$0x1ED80] =	vst v63  }
0x2cf: {  	_ =	swait.ge [sflag:s7], $0x1F40  }
0x2d0: {  	[sflag:s7] =	ssyncset.done $0x0  }
0x2d1: {  	[sflag:s7] =	ssyncadd.s32 $0xFFFFE0C0  }
0x2d2: {  	_ =	swait.ge [sflag:s9], $0x1F40  }
0x2d3: {  	[sflag:s9] =	ssyncset.done $0x0  }
0x2d4: {  	[sflag:s9] =	ssyncadd.s32 $0xFFFFE0C0  }
0x2d5: {  	[bflag:$0x0] =	sbarrier.arrive $0xFFFF  }
0x2d6: {  	s20 =	stileid.u32;
	s21 =	sld [smem:$0x7E9]  }
0x2d7: {  	s17 =	sshll.u32 s20, $0x6  }
0x2d8: {  	s17 =	sor.u32 $0x1C07, s17  }
0x2d9: {  	[hbm:s21], [sflag:s17] =	dma.local [spmem:s25], $0x30E0  }
0x2da: {  	_ =	swait.ge [sflag:s29], $0x30E0  }
0x2db: {  	s22 =	sld [smem:$0x7EA];
	_ =	sdelay $0x1  }
0x2dc: {  	s16 =	sadd.s32 $0x1, s16  }
0x2dd: {  	p0 =	sne.s32 s16, s22  }
.Ltmp2:
0x2de: {  	_ = 	snop;
	(pc) =	sbr.rel @p0 .LBB2_1-.Ltmp2, $3  }
0x2df: {  	_ =	sdelay $0x1  }
0x2e0: {  	[sflag:s29] =	ssyncset.done $0x0  }
0x2e1: {  	[sflag:s29] =	ssyncadd.s32 $0xFFFFCF20  }
0x2e2: {  	_ =	sfence.sel $0x180000  }
0x2e3: {  	[bflag:$0x0] =	sbarrier.arrive $0xFFFF  }
0x2e4: {  	_ =	strace $0x90000047  }
0x2e5: {  	s0 =	stileid.u32;
	[bflag:$0x2] =	sbarrier.arrive $0xFFFF  }
0x2e6: {  	p0 =	sne.s32 s0, $0x0;
	s0 =	rddreg [dreg:$0x3]  }
0x2e7: {  	s0 =	sadd.s32 @!p0 $0x100000, s0  }
0x2e8: {  	[sflag:s0] =	ssyncadd.tile.s32 @!p0 $0x1;
	_ =	shalt  }
.Lfunc_end2:
_tile_overlayer_lowered:
.L_overlay_start_2:
0x2e9: {  	(tag) =	ssettag $0x2  }
0x2ea: {  	s0 =	rddreg [dreg:$0x0];
	s2 =	stileid.u32  }
0x2eb: {  	s1 =	rddreg [dreg:$0x1];
	p0 =	sne.s32 s2, $0x0  }
0x2ec: {  	s3 =	rddreg [dreg:$0x2];
	[bflag:$0x3] =	sbarrier.arrive $0xFFFF;
	s2 =	simm.s32 @!p0 $0x1C07  }
0x2ed: {  	[timem:s3], [sflag:s2] =	dma.local @!p0 [hbm:s0], s1  }
0x2ee: {  	s0 =	simm.s32 @!p0 $0x7  }
0x2ef: {  	_ =	swait.ge @!p0 [sflag:s0], s1  }
0x2f0: {  	s1 =	ssub.s32 @!p0 $0x0, s1;
	[sflag:s0] =	ssyncset.done @!p0 $0x0  }
0x2f1: {  	[sflag:s0] =	ssyncadd.s32 @!p0 s1  }
0x2f2: {  	[bflag:$0x3] =	sbarrier.arrive $0xFFFF  }
0x2f3: {  	_ =	shalt  }

</sc_bundles>
